<compile_context>
chip_gen: v7x
topology: tpu7x:2x2x1
jax: 0.10.2.dev20260603
libtpu: 0.0.44.dev20260713+nightly
codegen_flags: <defaults>
</compile_context>

<pallas_src>
import functools

import jax
import jax.numpy as jnp
from jax import lax
from jax.experimental import pallas as pl
from jax.experimental.pallas import tpu as pltpu
from jax.experimental.pallas import tpu_sc as plsc

N_NODES = 10000
N_EDGES = 320000
D = 128
HID = 128
OUT = 128

NC = 2
NS = 16
NW = NC * NS
CHUNK = 128
E_PER_W = 10240
E_LAST = N_EDGES - 31 * E_PER_W
E_HALF = E_PER_W // 2
N_PAIRS = E_HALF // (2 * CHUNK)
N_PAIRS_LAST = E_LAST // (2 * CHUNK)
ROWS_PER_TILE = 624
TAIL_ROWS = N_NODES - NS * ROWS_PER_TILE

_mesh = plsc.VectorSubcoreMesh(core_axis_name="c", subcore_axis_name="s",
                               num_cores=NC, num_subcores=NS)


@functools.partial(
    pl.kernel,
    out_type=jax.ShapeDtypeStruct((NC, N_NODES, D), jnp.float32),
    mesh=_mesh,
    scratch_types=[
        pltpu.VMEM((2, E_HALF), jnp.int32),
        pltpu.VMEM((CHUNK, D), jnp.float32),
        pltpu.VMEM((CHUNK, D), jnp.float32),
        pltpu.VMEM_SHARED((N_NODES, D), jnp.float32),
        pltpu.SemaphoreType.DMA,
        pltpu.SemaphoreType.DMA,
    ],
)
def _sc_aggregate(x_hbm, edge_hbm, zeros_hbm, out_hbm,
                  ebuf, rows0, rows1, agg_sh, sem0, sem1):
    c = lax.axis_index("c")
    s = lax.axis_index("s")
    wid = s * NC + c
    is_last = wid == NW - 1
    n_pairs = jnp.where(is_last, N_PAIRS_LAST, N_PAIRS)

    def run_pairs(n):
        def pair_body(k, carry2):
            o0 = 2 * k * CHUNK
            pltpu.async_copy(
                x_hbm.at[ebuf.at[0, pl.ds(o0 + CHUNK, CHUNK)]], rows1, sem1)
            pltpu.make_async_copy(
                x_hbm.at[ebuf.at[0, pl.ds(o0, CHUNK)]], rows0, sem0).wait()
            pltpu.sync_copy(rows0, agg_sh.at[ebuf.at[1, pl.ds(o0, CHUNK)]],
                            add=True)

            @pl.when(k < n - 1)
            def _prefetch_next():
                pltpu.async_copy(
                    x_hbm.at[ebuf.at[0, pl.ds(o0 + 2 * CHUNK, CHUNK)]],
                    rows0, sem0)

            pltpu.make_async_copy(
                x_hbm.at[ebuf.at[0, pl.ds(o0 + CHUNK, CHUNK)]], rows1,
                sem1).wait()
            pltpu.sync_copy(rows1,
                            agg_sh.at[ebuf.at[1, pl.ds(o0 + CHUNK, CHUNK)]],
                            add=True)
            return carry2

        lax.fori_loop(0, n, pair_body, 0)

    @pl.when(jnp.logical_not(is_last))
    def _stage_idx():
        pltpu.sync_copy(edge_hbm.at[:, pl.ds(wid * E_PER_W, E_HALF)], ebuf)

    @pl.when(is_last)
    def _stage_idx_last():
        pltpu.sync_copy(edge_hbm.at[:, pl.ds((NW - 1) * E_PER_W, E_LAST)],
                        ebuf.at[:, pl.ds(0, E_LAST)])

    pltpu.async_copy(x_hbm.at[ebuf.at[0, pl.ds(0, CHUNK)]], rows0, sem0)

    pltpu.sync_copy(zeros_hbm.at[pl.ds(0, ROWS_PER_TILE)],
                    agg_sh.at[pl.ds(s * ROWS_PER_TILE, ROWS_PER_TILE)])

    @pl.when(s == 0)
    def _zero_tail():
        pltpu.sync_copy(zeros_hbm.at[pl.ds(0, TAIL_ROWS)],
                        agg_sh.at[pl.ds(NS * ROWS_PER_TILE, TAIL_ROWS)])

    plsc.subcore_barrier()

    run_pairs(n_pairs)

    @pl.when(jnp.logical_not(is_last))
    def _second_half():
        pltpu.sync_copy(
            edge_hbm.at[:, pl.ds(wid * E_PER_W + E_HALF, E_HALF)], ebuf)
        pltpu.async_copy(x_hbm.at[ebuf.at[0, pl.ds(0, CHUNK)]], rows0, sem0)
        run_pairs(N_PAIRS)

    plsc.subcore_barrier()
    pltpu.sync_copy(agg_sh.at[pl.ds(s * ROWS_PER_TILE, ROWS_PER_TILE)],
                    out_hbm.at[c, pl.ds(s * ROWS_PER_TILE, ROWS_PER_TILE)])

    @pl.when(s == 0)
    def _copy_tail():
        pltpu.sync_copy(agg_sh.at[pl.ds(NS * ROWS_PER_TILE, TAIL_ROWS)],
                        out_hbm.at[c, pl.ds(NS * ROWS_PER_TILE, TAIL_ROWS)])


_BLK = 2000


def _mlp_body(eps_ref, x_ref, a0_ref, a1_ref, w1_ref, b1_ref, w2_ref, b2_ref,
              w3_ref, b3_ref, w4_ref, b4_ref, out_ref):
    h = (1.0 + eps_ref[0]) * x_ref[...] + a0_ref[0] + a1_ref[0]
    h = jnp.maximum(
        jnp.dot(h.astype(jnp.bfloat16), w1_ref[...],
                preferred_element_type=jnp.float32) + b1_ref[...], 0.0)
    h = jnp.dot(h.astype(jnp.bfloat16), w2_ref[...],
                preferred_element_type=jnp.float32) + b2_ref[...]
    h = jnp.maximum(
        jnp.dot(h.astype(jnp.bfloat16), w3_ref[...],
                preferred_element_type=jnp.float32) + b3_ref[...], 0.0)
    h = jnp.dot(h.astype(jnp.bfloat16), w4_ref[...],
                preferred_element_type=jnp.float32) + b4_ref[...]
    out_ref[...] = jax.nn.sigmoid(h)


def _row_spec(i):
    return (i, 0)


def _fixed_spec(i):
    return (0, 0)


_tc_mlp = pl.pallas_call(
    _mlp_body,
    grid=(N_NODES // _BLK,),
    in_specs=[
        pl.BlockSpec(memory_space=pltpu.SMEM),
        pl.BlockSpec((_BLK, D), _row_spec),
        pl.BlockSpec((1, _BLK, D), lambda i: (0, i, 0)),
        pl.BlockSpec((1, _BLK, D), lambda i: (1, i, 0)),
        pl.BlockSpec((D, HID), _fixed_spec),
        pl.BlockSpec((1, HID), _fixed_spec),
        pl.BlockSpec((HID, D), _fixed_spec),
        pl.BlockSpec((1, D), _fixed_spec),
        pl.BlockSpec((D, HID), _fixed_spec),
        pl.BlockSpec((1, HID), _fixed_spec),
        pl.BlockSpec((HID, OUT), _fixed_spec),
        pl.BlockSpec((1, OUT), _fixed_spec),
    ],
    out_specs=pl.BlockSpec((_BLK, OUT), _row_spec),
    out_shape=jax.ShapeDtypeStruct((N_NODES, OUT), jnp.float32),
)


@jax.jit
def kernel(x, edge_index, eps, W1, b1, W2, b2, W3, b3, W4, b4):
    zeros = jnp.zeros((ROWS_PER_TILE, D), jnp.float32)
    agg = _sc_aggregate(x, edge_index.astype(jnp.int32), zeros)
    bf = jnp.bfloat16
    return _tc_mlp(jnp.reshape(1.0 * eps, (1,)), x, agg, agg,
                   W1.astype(bf), b1.reshape(1, HID),
                   W2.astype(bf), b2.reshape(1, D),
                   W3.astype(bf), b3.reshape(1, HID),
                   W4.astype(bf), b4.reshape(1, OUT))

# --- scband reference (transcript-rebuilt; emitter-appended) ---
"""Pipeline reference for scband-ginnet-7052336300584 (READ-ONLY COPY).

The authoritative reference and input builder live on the scoring server;
editing this copy changes nothing except your own understanding.
"""

import jax, jax.numpy as jnp
import numpy as np

N_NODES = 10000
N_EDGES = 320000
D = 128
HID = 128
OUT = 128


def setup_inputs(seed: int = 0) -> dict:
    key = jax.random.key(seed)
    ks = jax.random.split(key, 12)
    x = jax.random.normal(ks[0], (N_NODES, D), dtype=jnp.float32)
    edge_index = jax.random.randint(ks[1], (2, N_EDGES), 0, N_NODES, dtype=jnp.int64)
    s = 1.0 / np.sqrt(D)
    sh = 1.0 / np.sqrt(HID)
    # GINConv inner MLP: Linear(D->HID), ReLU, Linear(HID->D)
    W1 = jax.random.normal(ks[2], (D, HID), dtype=jnp.float32) * s
    b1 = jnp.zeros((HID,), dtype=jnp.float32)
    W2 = jax.random.normal(ks[3], (HID, D), dtype=jnp.float32) * sh
    b2 = jnp.zeros((D,), dtype=jnp.float32)
    # outer MLP (num_layers=2): Linear(D->HID), ReLU, Linear(HID->OUT)
    W3 = jax.random.normal(ks[4], (D, HID), dtype=jnp.float32) * s
    b3 = jnp.zeros((HID,), dtype=jnp.float32)
    W4 = jax.random.normal(ks[5], (HID, OUT), dtype=jnp.float32) * sh
    b4 = jnp.zeros((OUT,), dtype=jnp.float32)
    eps = jnp.zeros((), dtype=jnp.float32)  # train_eps=True, init 0
    return {"x": x, "edge_index": edge_index, "eps": eps,
            "W1": W1, "b1": b1, "W2": W2, "b2": b2,
            "W3": W3, "b3": b3, "W4": W4, "b4": b4}


def reference(x, edge_index, eps, W1, b1, W2, b2, W3, b3, W4, b4):
    src = edge_index[0]
    dst = edge_index[1]
    # GIN aggregation: sum of source-node features into destination nodes
    msg = jnp.take(x, src, axis=0)                       # gather [E, D]
    agg = jax.ops.segment_sum(msg, dst, num_segments=N_NODES)  # scatter-add [N, D]
    h = (1.0 + eps) * x + agg
    # inner MLP
    h = jax.nn.relu(h @ W1 + b1) @ W2 + b2
    # outer MLP + sigmoid
    out = jax.nn.relu(h @ W3 + b3) @ W4 + b4
    return jax.nn.sigmoid(out)

if __name__ == "__main__":
    import jax
    _d = setup_inputs()
    print(jax.jit(kernel)(*tuple(_d.values())))

</pallas_src>

<mosaic_0001>
#map = affine_map<(d0, d1) -> (0, 0)>
#map1 = affine_map<(d0, d1) -> (0, 0, 0)>
module attributes {stable_mosaic.version = 14 : i64} {
  func.func @_sc_aggregate(%arg0: i32, %arg1: i32, %arg2: memref<10000x128xf32, #tpu.memory_space<hbm>>, %arg3: memref<2x320000xi32, #tpu.memory_space<hbm>>, %arg4: memref<624x128xf32, #tpu.memory_space<hbm>>, %arg5: memref<2x10000x128xf32, #tpu.memory_space<hbm>>, %arg6: memref<2x5120xi32, #tpu.memory_space<vmem>>, %arg7: memref<128x128xf32, #tpu.memory_space<vmem>>, %arg8: memref<128x128xf32, #tpu.memory_space<vmem>>, %arg9: memref<10000x128xf32, #tpu.memory_space<vmem_shared>>, %arg10: memref<!tpu.dma_semaphore, #tpu.memory_space<semaphore_mem>>, %arg11: memref<!tpu.dma_semaphore, #tpu.memory_space<semaphore_mem>>) attributes {dimension_semantics = [#tpu.dimension_semantics<core_parallel>, #tpu.dimension_semantics<subcore_parallel>], iteration_bounds = array<i64: 2, 16>, scalar_prefetch = 0 : i64, scratch_operands = 6 : i64, tpu.core_type = #tpu.core_type<sc_vector_subcore>, window_params = [{transform_indices = #map}, {transform_indices = #map}, {transform_indices = #map}, {transform_indices = #map1}]} {
    %mul3A = arith.constant 2 : i32
    %mul3A_0 = arith.muli %arg1, %mul3A : i32
    %add3A = arith.addi %mul3A_0, %arg0 : i32
    %eq3A = arith.constant 31 : i32
    %eq3A_1 = arith.cmpi eq, %add3A, %eq3A : i32
    %jit3A = arith.constant 10 : i32
    %jit3A_2 = arith.constant 20 : i32
    %select_n3A = arith.select %eq3A_1, %jit3A, %jit3A_2 : i32
    %not3A = arith.constant true
    %not3A_3 = arith.xori %eq3A_1, %not3A : i1
    %convert_element_type3A = arith.extui %not3A_3 : i1 to i32
    %cond3A = arith.constant 0 : i32
    %cond3A_4 = arith.cmpi ne, %convert_element_type3A, %cond3A : i32
    scf.if %cond3A_4 {
      %mul3A_45 = arith.constant 10240 : i32
      %mul3A_46 = arith.muli %add3A, %mul3A_45 : i32
      "tpu.region"() ({
        %run_scoped3A = tpu.sem_alloc : memref<!tpu.dma_semaphore, #tpu.memory_space<semaphore_mem>>
        %dma_start3A_47 = arith.constant 0 : i32
        %dma_start3A_48 = tpu.memref_slice %arg3[%dma_start3A_47, %mul3A_46] : memref<2x320000xi32, #tpu.memory_space<hbm>> -> memref<2x5120xi32, #tpu.memory_space<hbm>>
        %dma_start3A_49 = arith.constant 0 : i32
        %dma_start3A_50 = tpu.memref_slice %arg3[%dma_start3A_49, %mul3A_46] : memref<2x320000xi32, #tpu.memory_space<hbm>> -> memref<2x5120xi32, #tpu.memory_space<hbm>>
        tpu.enqueue_dma source(%dma_start3A_50 : memref<2x5120xi32, #tpu.memory_space<hbm>>) target(%arg6 : memref<2x5120xi32, #tpu.memory_space<vmem>>) target_semaphore(%run_scoped3A : memref<!tpu.dma_semaphore, #tpu.memory_space<semaphore_mem>>)
        %dma_wait3A = arith.constant 0 : i32
        %dma_wait3A_51 = tpu.memref_slice %arg3[%dma_wait3A, %mul3A_46] : memref<2x320000xi32, #tpu.memory_space<hbm>> -> memref<2x5120xi32, #tpu.memory_space<hbm>>
        %dma_wait3A_52 = arith.constant 0 : i32
        %dma_wait3A_53 = tpu.memref_slice %arg3[%dma_wait3A_52, %mul3A_46] : memref<2x320000xi32, #tpu.memory_space<hbm>> -> memref<2x5120xi32, #tpu.memory_space<hbm>>
        tpu.wait_dma2 semaphore(%run_scoped3A : memref<!tpu.dma_semaphore, #tpu.memory_space<semaphore_mem>>) src(%dma_wait3A_53 : memref<2x5120xi32, #tpu.memory_space<hbm>>) dst(%arg6 : memref<2x5120xi32, #tpu.memory_space<vmem>>)
        tpu.yield
      }) : () -> ()
    } else {
    }
    %convert_element_type3A_5 = arith.extui %eq3A_1 : i1 to i32
    %cond3A_6 = arith.constant 0 : i32
    %cond3A_7 = arith.cmpi ne, %convert_element_type3A_5, %cond3A_6 : i32
    scf.if %cond3A_7 {
      "tpu.region"() ({
        %run_scoped3A = tpu.sem_alloc : memref<!tpu.dma_semaphore, #tpu.memory_space<semaphore_mem>>
        %dma_start3A_45 = arith.constant 0 : i32
        %dma_start3A_46 = arith.constant 0 : i32
        %dma_start3A_47 = tpu.memref_slice %arg6[%dma_start3A_45, %dma_start3A_46] : memref<2x5120xi32, #tpu.memory_space<vmem>> -> memref<2x2560xi32, #tpu.memory_space<vmem>>
        %dma_start3A_48 = arith.constant 0 : i32
        %dma_start3A_49 = arith.constant 317440 : i32
        %dma_start3A_50 = tpu.memref_slice %arg3[%dma_start3A_48, %dma_start3A_49] : memref<2x320000xi32, #tpu.memory_space<hbm>> -> memref<2x2560xi32, #tpu.memory_space<hbm>>
        %dma_start3A_51 = arith.constant 0 : i32
        %dma_start3A_52 = arith.constant 0 : i32
        %dma_start3A_53 = tpu.memref_slice %arg6[%dma_start3A_51, %dma_start3A_52] : memref<2x5120xi32, #tpu.memory_space<vmem>> -> memref<2x2560xi32, #tpu.memory_space<vmem>>
        %dma_start3A_54 = arith.constant 0 : i32
        %dma_start3A_55 = arith.constant 317440 : i32
        %dma_start3A_56 = tpu.memref_slice %arg3[%dma_start3A_54, %dma_start3A_55] : memref<2x320000xi32, #tpu.memory_space<hbm>> -> memref<2x2560xi32, #tpu.memory_space<hbm>>
        tpu.enqueue_dma source(%dma_start3A_56 : memref<2x2560xi32, #tpu.memory_space<hbm>>) target(%dma_start3A_53 : memref<2x2560xi32, #tpu.memory_space<vmem>>) target_semaphore(%run_scoped3A : memref<!tpu.dma_semaphore, #tpu.memory_space<semaphore_mem>>)
        %dma_wait3A = arith.constant 0 : i32
        %dma_wait3A_57 = arith.constant 0 : i32
        %dma_wait3A_58 = tpu.memref_slice %arg6[%dma_wait3A, %dma_wait3A_57] : memref<2x5120xi32, #tpu.memory_space<vmem>> -> memref<2x2560xi32, #tpu.memory_space<vmem>>
        %dma_wait3A_59 = arith.constant 0 : i32
        %dma_wait3A_60 = arith.constant 317440 : i32
        %dma_wait3A_61 = tpu.memref_slice %arg3[%dma_wait3A_59, %dma_wait3A_60] : memref<2x320000xi32, #tpu.memory_space<hbm>> -> memref<2x2560xi32, #tpu.memory_space<hbm>>
        %dma_wait3A_62 = arith.constant 0 : i32
        %dma_wait3A_63 = arith.constant 0 : i32
        %dma_wait3A_64 = tpu.memref_slice %arg6[%dma_wait3A_62, %dma_wait3A_63] : memref<2x5120xi32, #tpu.memory_space<vmem>> -> memref<2x2560xi32, #tpu.memory_space<vmem>>
        %dma_wait3A_65 = arith.constant 0 : i32
        %dma_wait3A_66 = arith.constant 317440 : i32
        %dma_wait3A_67 = tpu.memref_slice %arg3[%dma_wait3A_65, %dma_wait3A_66] : memref<2x320000xi32, #tpu.memory_space<hbm>> -> memref<2x2560xi32, #tpu.memory_space<hbm>>
        tpu.wait_dma2 semaphore(%run_scoped3A : memref<!tpu.dma_semaphore, #tpu.memory_space<semaphore_mem>>) src(%dma_wait3A_67 : memref<2x2560xi32, #tpu.memory_space<hbm>>) dst(%dma_wait3A_64 : memref<2x2560xi32, #tpu.memory_space<vmem>>)
        tpu.yield
      }) : () -> ()
    } else {
    }
    %dma_start3A = arith.constant 0 : i32
    %dma_start3A_8 = arith.constant 0 : i32
    %dma_start3A_9 = tpu.memref_slice %arg6[%dma_start3A, %dma_start3A_8] : memref<2x5120xi32, #tpu.memory_space<vmem>> -> memref<1x128xi32, #tpu.memory_space<vmem>>
    %dma_start3A_10 = tpu.memref_squeeze %dma_start3A_9 : memref<1x128xi32, #tpu.memory_space<vmem>> -> memref<128xi32, #tpu.memory_space<vmem>>
    %dma_start3A_11 = arith.constant 0 : i32
    %dma_start3A_12 = arith.constant 0 : i32
    %dma_start3A_13 = tpu.memref_slice %arg2[%dma_start3A_11, %dma_start3A_12] : memref<10000x128xf32, #tpu.memory_space<hbm>> -> memref<10000x128xf32, #tpu.memory_space<hbm>>
    tpu.enqueue_indirect_dma source(%dma_start3A_13 : memref<10000x128xf32, #tpu.memory_space<hbm>>) target(%arg7 : memref<128x128xf32, #tpu.memory_space<vmem>>) offsets(%dma_start3A_10 : memref<128xi32, #tpu.memory_space<vmem>>) semaphore(%arg10 : memref<!tpu.dma_semaphore, #tpu.memory_space<semaphore_mem>>)
    %mul3A_14 = arith.constant 624 : i32
    %mul3A_15 = arith.muli %arg1, %mul3A_14 : i32
    "tpu.region"() ({
      %run_scoped3A = tpu.sem_alloc : memref<!tpu.dma_semaphore, #tpu.memory_space<semaphore_mem>>
      %dma_start3A_45 = arith.constant 0 : i32
      %dma_start3A_46 = tpu.memref_slice %arg9[%mul3A_15, %dma_start3A_45] : memref<10000x128xf32, #tpu.memory_space<vmem_shared>> -> memref<624x128xf32, #tpu.memory_space<vmem_shared>>
      %dma_start3A_47 = arith.constant 0 : i32
      %dma_start3A_48 = arith.constant 0 : i32
      %dma_start3A_49 = tpu.memref_slice %arg4[%dma_start3A_47, %dma_start3A_48] : memref<624x128xf32, #tpu.memory_space<hbm>> -> memref<624x128xf32, #tpu.memory_space<hbm>>
      tpu.enqueue_dma source(%dma_start3A_49 : memref<624x128xf32, #tpu.memory_space<hbm>>) target(%dma_start3A_46 : memref<624x128xf32, #tpu.memory_space<vmem_shared>>) target_semaphore(%run_scoped3A : memref<!tpu.dma_semaphore, #tpu.memory_space<semaphore_mem>>)
      %dma_wait3A = arith.constant 0 : i32
      %dma_wait3A_50 = tpu.memref_slice %arg9[%mul3A_15, %dma_wait3A] : memref<10000x128xf32, #tpu.memory_space<vmem_shared>> -> memref<624x128xf32, #tpu.memory_space<vmem_shared>>
      %dma_wait3A_51 = arith.constant 0 : i32
      %dma_wait3A_52 = arith.constant 0 : i32
      %dma_wait3A_53 = tpu.memref_slice %arg4[%dma_wait3A_51, %dma_wait3A_52] : memref<624x128xf32, #tpu.memory_space<hbm>> -> memref<624x128xf32, #tpu.memory_space<hbm>>
      tpu.wait_dma2 semaphore(%run_scoped3A : memref<!tpu.dma_semaphore, #tpu.memory_space<semaphore_mem>>) src(%dma_wait3A_53 : memref<624x128xf32, #tpu.memory_space<hbm>>) dst(%dma_wait3A_50 : memref<624x128xf32, #tpu.memory_space<vmem_shared>>)
      tpu.yield
    }) : () -> ()
    %eq3A_16 = arith.constant 0 : i32
    %eq3A_17 = arith.cmpi eq, %arg1, %eq3A_16 : i32
    %convert_element_type3A_18 = arith.extui %eq3A_17 : i1 to i32
    %cond3A_19 = arith.constant 0 : i32
    %cond3A_20 = arith.cmpi ne, %convert_element_type3A_18, %cond3A_19 : i32
    scf.if %cond3A_20 {
      "tpu.region"() ({
        %run_scoped3A = tpu.sem_alloc : memref<!tpu.dma_semaphore, #tpu.memory_space<semaphore_mem>>
        %dma_start3A_45 = arith.constant 9984 : i32
        %dma_start3A_46 = arith.constant 0 : i32
        %dma_start3A_47 = tpu.memref_slice %arg9[%dma_start3A_45, %dma_start3A_46] : memref<10000x128xf32, #tpu.memory_space<vmem_shared>> -> memref<16x128xf32, #tpu.memory_space<vmem_shared>>
        %dma_start3A_48 = arith.constant 0 : i32
        %dma_start3A_49 = arith.constant 0 : i32
        %dma_start3A_50 = tpu.memref_slice %arg4[%dma_start3A_48, %dma_start3A_49] : memref<624x128xf32, #tpu.memory_space<hbm>> -> memref<16x128xf32, #tpu.memory_space<hbm>>
        tpu.enqueue_dma source(%dma_start3A_50 : memref<16x128xf32, #tpu.memory_space<hbm>>) target(%dma_start3A_47 : memref<16x128xf32, #tpu.memory_space<vmem_shared>>) target_semaphore(%run_scoped3A : memref<!tpu.dma_semaphore, #tpu.memory_space<semaphore_mem>>)
        %dma_wait3A = arith.constant 9984 : i32
        %dma_wait3A_51 = arith.constant 0 : i32
        %dma_wait3A_52 = tpu.memref_slice %arg9[%dma_wait3A, %dma_wait3A_51] : memref<10000x128xf32, #tpu.memory_space<vmem_shared>> -> memref<16x128xf32, #tpu.memory_space<vmem_shared>>
        %dma_wait3A_53 = arith.constant 0 : i32
        %dma_wait3A_54 = arith.constant 0 : i32
        %dma_wait3A_55 = tpu.memref_slice %arg4[%dma_wait3A_53, %dma_wait3A_54] : memref<624x128xf32, #tpu.memory_space<hbm>> -> memref<16x128xf32, #tpu.memory_space<hbm>>
        tpu.wait_dma2 semaphore(%run_scoped3A : memref<!tpu.dma_semaphore, #tpu.memory_space<semaphore_mem>>) src(%dma_wait3A_55 : memref<16x128xf32, #tpu.memory_space<hbm>>) dst(%dma_wait3A_52 : memref<16x128xf32, #tpu.memory_space<vmem_shared>>)
        tpu.yield
      }) : () -> ()
    } else {
    }
    %barrier3A = arith.constant 0 : index
    tpu.barrier barrier_id(%barrier3A)
    %while3A = arith.constant 0 : i32
    %while3A_21 = arith.constant 0 : i32
    %while3A_22 = arith.subi %select_n3A, %while3A_21 : i32
    %while3A_23 = arith.addi %while3A_21, %while3A_22 : i32
    %while3A_24 = arith.constant 1 : i32
    %while3A_25 = arith.divsi %while3A_22, %while3A_24 : i32
    %while3A_26 = arith.muli %while3A_25, %while3A_24 : i32
    %while3A_27 = arith.addi %while3A_21, %while3A_26 : i32
    %while3A_28 = arith.constant 1 : i32
    scf.for %while3A_45 = %while3A_21 to %while3A_27 step %while3A_28  : i32 {
      %mul3A_46 = arith.constant 2 : i32
      %mul3A_47 = arith.muli %mul3A_46, %while3A_45 : i32
      %mul3A_48 = arith.constant 128 : i32
      %mul3A_49 = arith.muli %mul3A_47, %mul3A_48 : i32
      %add3A_50 = arith.constant 128 : i32
      %add3A_51 = arith.addi %mul3A_49, %add3A_50 : i32
      %dma_start3A_52 = arith.constant 0 : i32
      %dma_start3A_53 = tpu.memref_slice %arg6[%dma_start3A_52, %add3A_51] : memref<2x5120xi32, #tpu.memory_space<vmem>> -> memref<1x128xi32, #tpu.memory_space<vmem>>
      %dma_start3A_54 = tpu.memref_squeeze %dma_start3A_53 : memref<1x128xi32, #tpu.memory_space<vmem>> -> memref<128xi32, #tpu.memory_space<vmem>>
      %dma_start3A_55 = arith.constant 0 : i32
      %dma_start3A_56 = arith.constant 0 : i32
      %dma_start3A_57 = tpu.memref_slice %arg2[%dma_start3A_55, %dma_start3A_56] : memref<10000x128xf32, #tpu.memory_space<hbm>> -> memref<10000x128xf32, #tpu.memory_space<hbm>>
      tpu.enqueue_indirect_dma source(%dma_start3A_57 : memref<10000x128xf32, #tpu.memory_space<hbm>>) target(%arg8 : memref<128x128xf32, #tpu.memory_space<vmem>>) offsets(%dma_start3A_54 : memref<128xi32, #tpu.memory_space<vmem>>) semaphore(%arg11 : memref<!tpu.dma_semaphore, #tpu.memory_space<semaphore_mem>>)
      %dma_wait3A = arith.constant 0 : i32
      %dma_wait3A_58 = tpu.memref_slice %arg6[%dma_wait3A, %mul3A_49] : memref<2x5120xi32, #tpu.memory_space<vmem>> -> memref<1x128xi32, #tpu.memory_space<vmem>>
      %dma_wait3A_59 = tpu.memref_squeeze %dma_wait3A_58 : memref<1x128xi32, #tpu.memory_space<vmem>> -> memref<128xi32, #tpu.memory_space<vmem>>
      %dma_wait3A_60 = arith.constant 0 : i32
      %dma_wait3A_61 = arith.constant 0 : i32
      %dma_wait3A_62 = tpu.memref_slice %arg2[%dma_wait3A_60, %dma_wait3A_61] : memref<10000x128xf32, #tpu.memory_space<hbm>> -> memref<10000x128xf32, #tpu.memory_space<hbm>>
      tpu.wait_indirect_dma semaphore(%arg10 : memref<!tpu.dma_semaphore, #tpu.memory_space<semaphore_mem>>) src(%dma_wait3A_62 : memref<10000x128xf32, #tpu.memory_space<hbm>>) dst(%arg7 : memref<128x128xf32, #tpu.memory_space<vmem>>)
      %run_scoped3A = arith.constant 1 : i32
      "tpu.region"() ({
        %run_scoped3A_78 = tpu.sem_alloc : memref<!tpu.dma_semaphore, #tpu.memory_space<semaphore_mem>>
        %dma_start3A_79 = tpu.memref_slice %arg6[%run_scoped3A, %mul3A_49] : memref<2x5120xi32, #tpu.memory_space<vmem>> -> memref<1x128xi32, #tpu.memory_space<vmem>>
        %dma_start3A_80 = tpu.memref_squeeze %dma_start3A_79 : memref<1x128xi32, #tpu.memory_space<vmem>> -> memref<128xi32, #tpu.memory_space<vmem>>
        %dma_start3A_81 = arith.constant 0 : i32
        %dma_start3A_82 = arith.constant 0 : i32
        %dma_start3A_83 = tpu.memref_slice %arg9[%dma_start3A_81, %dma_start3A_82] : memref<10000x128xf32, #tpu.memory_space<vmem_shared>> -> memref<10000x128xf32, #tpu.memory_space<vmem_shared>>
        tpu.enqueue_indirect_dma source(%arg7 : memref<128x128xf32, #tpu.memory_space<vmem>>) target(%dma_start3A_83 : memref<10000x128xf32, #tpu.memory_space<vmem_shared>>) offsets(%dma_start3A_80 : memref<128xi32, #tpu.memory_space<vmem>>) semaphore(%run_scoped3A_78 : memref<!tpu.dma_semaphore, #tpu.memory_space<semaphore_mem>>) {add = true}
        %dma_wait3A_84 = tpu.memref_slice %arg6[%run_scoped3A, %mul3A_49] : memref<2x5120xi32, #tpu.memory_space<vmem>> -> memref<1x128xi32, #tpu.memory_space<vmem>>
        %dma_wait3A_85 = tpu.memref_squeeze %dma_wait3A_84 : memref<1x128xi32, #tpu.memory_space<vmem>> -> memref<128xi32, #tpu.memory_space<vmem>>
        %dma_wait3A_86 = arith.constant 0 : i32
        %dma_wait3A_87 = arith.constant 0 : i32
        %dma_wait3A_88 = tpu.memref_slice %arg9[%dma_wait3A_86, %dma_wait3A_87] : memref<10000x128xf32, #tpu.memory_space<vmem_shared>> -> memref<10000x128xf32, #tpu.memory_space<vmem_shared>>
        tpu.wait_indirect_dma semaphore(%run_scoped3A_78 : memref<!tpu.dma_semaphore, #tpu.memory_space<semaphore_mem>>) src(%arg7 : memref<128x128xf32, #tpu.memory_space<vmem>>) dst(%dma_wait3A_88 : memref<10000x128xf32, #tpu.memory_space<vmem_shared>>)
        tpu.yield
      }) : () -> ()
      %sub3A = arith.constant 1 : i32
      %sub3A_63 = arith.subi %select_n3A, %sub3A : i32
      %lt3A = arith.cmpi slt, %while3A_45, %sub3A_63 : i32
      %convert_element_type3A_64 = arith.extui %lt3A : i1 to i32
      %cond3A_65 = arith.constant 0 : i32
      %cond3A_66 = arith.cmpi ne, %convert_element_type3A_64, %cond3A_65 : i32
      scf.if %cond3A_66 {
        %add3A_78 = arith.constant 256 : i32
        %add3A_79 = arith.addi %mul3A_49, %add3A_78 : i32
        %dma_start3A_80 = arith.constant 0 : i32
        %dma_start3A_81 = tpu.memref_slice %arg6[%dma_start3A_80, %add3A_79] : memref<2x5120xi32, #tpu.memory_space<vmem>> -> memref<1x128xi32, #tpu.memory_space<vmem>>
        %dma_start3A_82 = tpu.memref_squeeze %dma_start3A_81 : memref<1x128xi32, #tpu.memory_space<vmem>> -> memref<128xi32, #tpu.memory_space<vmem>>
        %dma_start3A_83 = arith.constant 0 : i32
        %dma_start3A_84 = arith.constant 0 : i32
        %dma_start3A_85 = tpu.memref_slice %arg2[%dma_start3A_83, %dma_start3A_84] : memref<10000x128xf32, #tpu.memory_space<hbm>> -> memref<10000x128xf32, #tpu.memory_space<hbm>>
        tpu.enqueue_indirect_dma source(%dma_start3A_85 : memref<10000x128xf32, #tpu.memory_space<hbm>>) target(%arg7 : memref<128x128xf32, #tpu.memory_space<vmem>>) offsets(%dma_start3A_82 : memref<128xi32, #tpu.memory_space<vmem>>) semaphore(%arg10 : memref<!tpu.dma_semaphore, #tpu.memory_space<semaphore_mem>>)
      } else {
      }
      %add3A_67 = arith.constant 128 : i32
      %add3A_68 = arith.addi %mul3A_49, %add3A_67 : i32
      %dma_wait3A_69 = arith.constant 0 : i32
      %dma_wait3A_70 = tpu.memref_slice %arg6[%dma_wait3A_69, %add3A_68] : memref<2x5120xi32, #tpu.memory_space<vmem>> -> memref<1x128xi32, #tpu.memory_space<vmem>>
      %dma_wait3A_71 = tpu.memref_squeeze %dma_wait3A_70 : memref<1x128xi32, #tpu.memory_space<vmem>> -> memref<128xi32, #tpu.memory_space<vmem>>
      %dma_wait3A_72 = arith.constant 0 : i32
      %dma_wait3A_73 = arith.constant 0 : i32
      %dma_wait3A_74 = tpu.memref_slice %arg2[%dma_wait3A_72, %dma_wait3A_73] : memref<10000x128xf32, #tpu.memory_space<hbm>> -> memref<10000x128xf32, #tpu.memory_space<hbm>>
      tpu.wait_indirect_dma semaphore(%arg11 : memref<!tpu.dma_semaphore, #tpu.memory_space<semaphore_mem>>) src(%dma_wait3A_74 : memref<10000x128xf32, #tpu.memory_space<hbm>>) dst(%arg8 : memref<128x128xf32, #tpu.memory_space<vmem>>)
      %add3A_75 = arith.constant 128 : i32
      %add3A_76 = arith.addi %mul3A_49, %add3A_75 : i32
      %run_scoped3A_77 = arith.constant 1 : i32
      "tpu.region"() ({
        %run_scoped3A_78 = tpu.sem_alloc : memref<!tpu.dma_semaphore, #tpu.memory_space<semaphore_mem>>
        %dma_start3A_79 = tpu.memref_slice %arg6[%run_scoped3A_77, %add3A_76] : memref<2x5120xi32, #tpu.memory_space<vmem>> -> memref<1x128xi32, #tpu.memory_space<vmem>>
        %dma_start3A_80 = tpu.memref_squeeze %dma_start3A_79 : memref<1x128xi32, #tpu.memory_space<vmem>> -> memref<128xi32, #tpu.memory_space<vmem>>
        %dma_start3A_81 = arith.constant 0 : i32
        %dma_start3A_82 = arith.constant 0 : i32
        %dma_start3A_83 = tpu.memref_slice %arg9[%dma_start3A_81, %dma_start3A_82] : memref<10000x128xf32, #tpu.memory_space<vmem_shared>> -> memref<10000x128xf32, #tpu.memory_space<vmem_shared>>
        tpu.enqueue_indirect_dma source(%arg8 : memref<128x128xf32, #tpu.memory_space<vmem>>) target(%dma_start3A_83 : memref<10000x128xf32, #tpu.memory_space<vmem_shared>>) offsets(%dma_start3A_80 : memref<128xi32, #tpu.memory_space<vmem>>) semaphore(%run_scoped3A_78 : memref<!tpu.dma_semaphore, #tpu.memory_space<semaphore_mem>>) {add = true}
        %dma_wait3A_84 = tpu.memref_slice %arg6[%run_scoped3A_77, %add3A_76] : memref<2x5120xi32, #tpu.memory_space<vmem>> -> memref<1x128xi32, #tpu.memory_space<vmem>>
        %dma_wait3A_85 = tpu.memref_squeeze %dma_wait3A_84 : memref<1x128xi32, #tpu.memory_space<vmem>> -> memref<128xi32, #tpu.memory_space<vmem>>
        %dma_wait3A_86 = arith.constant 0 : i32
        %dma_wait3A_87 = arith.constant 0 : i32
        %dma_wait3A_88 = tpu.memref_slice %arg9[%dma_wait3A_86, %dma_wait3A_87] : memref<10000x128xf32, #tpu.memory_space<vmem_shared>> -> memref<10000x128xf32, #tpu.memory_space<vmem_shared>>
        tpu.wait_indirect_dma semaphore(%run_scoped3A_78 : memref<!tpu.dma_semaphore, #tpu.memory_space<semaphore_mem>>) src(%arg8 : memref<128x128xf32, #tpu.memory_space<vmem>>) dst(%dma_wait3A_88 : memref<10000x128xf32, #tpu.memory_space<vmem_shared>>)
        tpu.yield
      }) : () -> ()
    }
    %while3A_29 = arith.constant 1 : i32
    scf.for %while3A_45 = %while3A_27 to %while3A_23 step %while3A_29  : i32 {
      %mul3A_46 = arith.constant 2 : i32
      %mul3A_47 = arith.muli %mul3A_46, %while3A_45 : i32
      %mul3A_48 = arith.constant 128 : i32
      %mul3A_49 = arith.muli %mul3A_47, %mul3A_48 : i32
      %add3A_50 = arith.constant 128 : i32
      %add3A_51 = arith.addi %mul3A_49, %add3A_50 : i32
      %dma_start3A_52 = arith.constant 0 : i32
      %dma_start3A_53 = tpu.memref_slice %arg6[%dma_start3A_52, %add3A_51] : memref<2x5120xi32, #tpu.memory_space<vmem>> -> memref<1x128xi32, #tpu.memory_space<vmem>>
      %dma_start3A_54 = tpu.memref_squeeze %dma_start3A_53 : memref<1x128xi32, #tpu.memory_space<vmem>> -> memref<128xi32, #tpu.memory_space<vmem>>
      %dma_start3A_55 = arith.constant 0 : i32
      %dma_start3A_56 = arith.constant 0 : i32
      %dma_start3A_57 = tpu.memref_slice %arg2[%dma_start3A_55, %dma_start3A_56] : memref<10000x128xf32, #tpu.memory_space<hbm>> -> memref<10000x128xf32, #tpu.memory_space<hbm>>
      tpu.enqueue_indirect_dma source(%dma_start3A_57 : memref<10000x128xf32, #tpu.memory_space<hbm>>) target(%arg8 : memref<128x128xf32, #tpu.memory_space<vmem>>) offsets(%dma_start3A_54 : memref<128xi32, #tpu.memory_space<vmem>>) semaphore(%arg11 : memref<!tpu.dma_semaphore, #tpu.memory_space<semaphore_mem>>)
      %dma_wait3A = arith.constant 0 : i32
      %dma_wait3A_58 = tpu.memref_slice %arg6[%dma_wait3A, %mul3A_49] : memref<2x5120xi32, #tpu.memory_space<vmem>> -> memref<1x128xi32, #tpu.memory_space<vmem>>
      %dma_wait3A_59 = tpu.memref_squeeze %dma_wait3A_58 : memref<1x128xi32, #tpu.memory_space<vmem>> -> memref<128xi32, #tpu.memory_space<vmem>>
      %dma_wait3A_60 = arith.constant 0 : i32
      %dma_wait3A_61 = arith.constant 0 : i32
      %dma_wait3A_62 = tpu.memref_slice %arg2[%dma_wait3A_60, %dma_wait3A_61] : memref<10000x128xf32, #tpu.memory_space<hbm>> -> memref<10000x128xf32, #tpu.memory_space<hbm>>
      tpu.wait_indirect_dma semaphore(%arg10 : memref<!tpu.dma_semaphore, #tpu.memory_space<semaphore_mem>>) src(%dma_wait3A_62 : memref<10000x128xf32, #tpu.memory_space<hbm>>) dst(%arg7 : memref<128x128xf32, #tpu.memory_space<vmem>>)
      %run_scoped3A = arith.constant 1 : i32
      "tpu.region"() ({
        %run_scoped3A_78 = tpu.sem_alloc : memref<!tpu.dma_semaphore, #tpu.memory_space<semaphore_mem>>
        %dma_start3A_79 = tpu.memref_slice %arg6[%run_scoped3A, %mul3A_49] : memref<2x5120xi32, #tpu.memory_space<vmem>> -> memref<1x128xi32, #tpu.memory_space<vmem>>
        %dma_start3A_80 = tpu.memref_squeeze %dma_start3A_79 : memref<1x128xi32, #tpu.memory_space<vmem>> -> memref<128xi32, #tpu.memory_space<vmem>>
        %dma_start3A_81 = arith.constant 0 : i32
        %dma_start3A_82 = arith.constant 0 : i32
        %dma_start3A_83 = tpu.memref_slice %arg9[%dma_start3A_81, %dma_start3A_82] : memref<10000x128xf32, #tpu.memory_space<vmem_shared>> -> memref<10000x128xf32, #tpu.memory_space<vmem_shared>>
        tpu.enqueue_indirect_dma source(%arg7 : memref<128x128xf32, #tpu.memory_space<vmem>>) target(%dma_start3A_83 : memref<10000x128xf32, #tpu.memory_space<vmem_shared>>) offsets(%dma_start3A_80 : memref<128xi32, #tpu.memory_space<vmem>>) semaphore(%run_scoped3A_78 : memref<!tpu.dma_semaphore, #tpu.memory_space<semaphore_mem>>) {add = true}
        %dma_wait3A_84 = tpu.memref_slice %arg6[%run_scoped3A, %mul3A_49] : memref<2x5120xi32, #tpu.memory_space<vmem>> -> memref<1x128xi32, #tpu.memory_space<vmem>>
        %dma_wait3A_85 = tpu.memref_squeeze %dma_wait3A_84 : memref<1x128xi32, #tpu.memory_space<vmem>> -> memref<128xi32, #tpu.memory_space<vmem>>
        %dma_wait3A_86 = arith.constant 0 : i32
        %dma_wait3A_87 = arith.constant 0 : i32
        %dma_wait3A_88 = tpu.memref_slice %arg9[%dma_wait3A_86, %dma_wait3A_87] : memref<10000x128xf32, #tpu.memory_space<vmem_shared>> -> memref<10000x128xf32, #tpu.memory_space<vmem_shared>>
        tpu.wait_indirect_dma semaphore(%run_scoped3A_78 : memref<!tpu.dma_semaphore, #tpu.memory_space<semaphore_mem>>) src(%arg7 : memref<128x128xf32, #tpu.memory_space<vmem>>) dst(%dma_wait3A_88 : memref<10000x128xf32, #tpu.memory_space<vmem_shared>>)
        tpu.yield
      }) : () -> ()
      %sub3A = arith.constant 1 : i32
      %sub3A_63 = arith.subi %select_n3A, %sub3A : i32
      %lt3A = arith.cmpi slt, %while3A_45, %sub3A_63 : i32
      %convert_element_type3A_64 = arith.extui %lt3A : i1 to i32
      %cond3A_65 = arith.constant 0 : i32
      %cond3A_66 = arith.cmpi ne, %convert_element_type3A_64, %cond3A_65 : i32
      scf.if %cond3A_66 {
        %add3A_78 = arith.constant 256 : i32
        %add3A_79 = arith.addi %mul3A_49, %add3A_78 : i32
        %dma_start3A_80 = arith.constant 0 : i32
        %dma_start3A_81 = tpu.memref_slice %arg6[%dma_start3A_80, %add3A_79] : memref<2x5120xi32, #tpu.memory_space<vmem>> -> memref<1x128xi32, #tpu.memory_space<vmem>>
        %dma_start3A_82 = tpu.memref_squeeze %dma_start3A_81 : memref<1x128xi32, #tpu.memory_space<vmem>> -> memref<128xi32, #tpu.memory_space<vmem>>
        %dma_start3A_83 = arith.constant 0 : i32
        %dma_start3A_84 = arith.constant 0 : i32
        %dma_start3A_85 = tpu.memref_slice %arg2[%dma_start3A_83, %dma_start3A_84] : memref<10000x128xf32, #tpu.memory_space<hbm>> -> memref<10000x128xf32, #tpu.memory_space<hbm>>
        tpu.enqueue_indirect_dma source(%dma_start3A_85 : memref<10000x128xf32, #tpu.memory_space<hbm>>) target(%arg7 : memref<128x128xf32, #tpu.memory_space<vmem>>) offsets(%dma_start3A_82 : memref<128xi32, #tpu.memory_space<vmem>>) semaphore(%arg10 : memref<!tpu.dma_semaphore, #tpu.memory_space<semaphore_mem>>)
      } else {
      }
      %add3A_67 = arith.constant 128 : i32
      %add3A_68 = arith.addi %mul3A_49, %add3A_67 : i32
      %dma_wait3A_69 = arith.constant 0 : i32
      %dma_wait3A_70 = tpu.memref_slice %arg6[%dma_wait3A_69, %add3A_68] : memref<2x5120xi32, #tpu.memory_space<vmem>> -> memref<1x128xi32, #tpu.memory_space<vmem>>
      %dma_wait3A_71 = tpu.memref_squeeze %dma_wait3A_70 : memref<1x128xi32, #tpu.memory_space<vmem>> -> memref<128xi32, #tpu.memory_space<vmem>>
      %dma_wait3A_72 = arith.constant 0 : i32
      %dma_wait3A_73 = arith.constant 0 : i32
      %dma_wait3A_74 = tpu.memref_slice %arg2[%dma_wait3A_72, %dma_wait3A_73] : memref<10000x128xf32, #tpu.memory_space<hbm>> -> memref<10000x128xf32, #tpu.memory_space<hbm>>
      tpu.wait_indirect_dma semaphore(%arg11 : memref<!tpu.dma_semaphore, #tpu.memory_space<semaphore_mem>>) src(%dma_wait3A_74 : memref<10000x128xf32, #tpu.memory_space<hbm>>) dst(%arg8 : memref<128x128xf32, #tpu.memory_space<vmem>>)
      %add3A_75 = arith.constant 128 : i32
      %add3A_76 = arith.addi %mul3A_49, %add3A_75 : i32
      %run_scoped3A_77 = arith.constant 1 : i32
      "tpu.region"() ({
        %run_scoped3A_78 = tpu.sem_alloc : memref<!tpu.dma_semaphore, #tpu.memory_space<semaphore_mem>>
        %dma_start3A_79 = tpu.memref_slice %arg6[%run_scoped3A_77, %add3A_76] : memref<2x5120xi32, #tpu.memory_space<vmem>> -> memref<1x128xi32, #tpu.memory_space<vmem>>
        %dma_start3A_80 = tpu.memref_squeeze %dma_start3A_79 : memref<1x128xi32, #tpu.memory_space<vmem>> -> memref<128xi32, #tpu.memory_space<vmem>>
        %dma_start3A_81 = arith.constant 0 : i32
        %dma_start3A_82 = arith.constant 0 : i32
        %dma_start3A_83 = tpu.memref_slice %arg9[%dma_start3A_81, %dma_start3A_82] : memref<10000x128xf32, #tpu.memory_space<vmem_shared>> -> memref<10000x128xf32, #tpu.memory_space<vmem_shared>>
        tpu.enqueue_indirect_dma source(%arg8 : memref<128x128xf32, #tpu.memory_space<vmem>>) target(%dma_start3A_83 : memref<10000x128xf32, #tpu.memory_space<vmem_shared>>) offsets(%dma_start3A_80 : memref<128xi32, #tpu.memory_space<vmem>>) semaphore(%run_scoped3A_78 : memref<!tpu.dma_semaphore, #tpu.memory_space<semaphore_mem>>) {add = true}
        %dma_wait3A_84 = tpu.memref_slice %arg6[%run_scoped3A_77, %add3A_76] : memref<2x5120xi32, #tpu.memory_space<vmem>> -> memref<1x128xi32, #tpu.memory_space<vmem>>
        %dma_wait3A_85 = tpu.memref_squeeze %dma_wait3A_84 : memref<1x128xi32, #tpu.memory_space<vmem>> -> memref<128xi32, #tpu.memory_space<vmem>>
        %dma_wait3A_86 = arith.constant 0 : i32
        %dma_wait3A_87 = arith.constant 0 : i32
        %dma_wait3A_88 = tpu.memref_slice %arg9[%dma_wait3A_86, %dma_wait3A_87] : memref<10000x128xf32, #tpu.memory_space<vmem_shared>> -> memref<10000x128xf32, #tpu.memory_space<vmem_shared>>
        tpu.wait_indirect_dma semaphore(%run_scoped3A_78 : memref<!tpu.dma_semaphore, #tpu.memory_space<semaphore_mem>>) src(%arg8 : memref<128x128xf32, #tpu.memory_space<vmem>>) dst(%dma_wait3A_88 : memref<10000x128xf32, #tpu.memory_space<vmem_shared>>)
        tpu.yield
      }) : () -> ()
    }
    %not3A_30 = arith.constant true
    %not3A_31 = arith.xori %eq3A_1, %not3A_30 : i1
    %convert_element_type3A_32 = arith.extui %not3A_31 : i1 to i32
    %cond3A_33 = arith.constant 0 : i32
    %cond3A_34 = arith.cmpi ne, %convert_element_type3A_32, %cond3A_33 : i32
    scf.if %cond3A_34 {
      %mul3A_45 = arith.constant 10240 : i32
      %mul3A_46 = arith.muli %add3A, %mul3A_45 : i32
      %add3A_47 = arith.constant 5120 : i32
      %add3A_48 = arith.addi %mul3A_46, %add3A_47 : i32
      "tpu.region"() ({
        %run_scoped3A = tpu.sem_alloc : memref<!tpu.dma_semaphore, #tpu.memory_space<semaphore_mem>>
        %dma_start3A_61 = arith.constant 0 : i32
        %dma_start3A_62 = tpu.memref_slice %arg3[%dma_start3A_61, %add3A_48] : memref<2x320000xi32, #tpu.memory_space<hbm>> -> memref<2x5120xi32, #tpu.memory_space<hbm>>
        %dma_start3A_63 = arith.constant 0 : i32
        %dma_start3A_64 = tpu.memref_slice %arg3[%dma_start3A_63, %add3A_48] : memref<2x320000xi32, #tpu.memory_space<hbm>> -> memref<2x5120xi32, #tpu.memory_space<hbm>>
        tpu.enqueue_dma source(%dma_start3A_64 : memref<2x5120xi32, #tpu.memory_space<hbm>>) target(%arg6 : memref<2x5120xi32, #tpu.memory_space<vmem>>) target_semaphore(%run_scoped3A : memref<!tpu.dma_semaphore, #tpu.memory_space<semaphore_mem>>)
        %dma_wait3A = arith.constant 0 : i32
        %dma_wait3A_65 = tpu.memref_slice %arg3[%dma_wait3A, %add3A_48] : memref<2x320000xi32, #tpu.memory_space<hbm>> -> memref<2x5120xi32, #tpu.memory_space<hbm>>
        %dma_wait3A_66 = arith.constant 0 : i32
        %dma_wait3A_67 = tpu.memref_slice %arg3[%dma_wait3A_66, %add3A_48] : memref<2x320000xi32, #tpu.memory_space<hbm>> -> memref<2x5120xi32, #tpu.memory_space<hbm>>
        tpu.wait_dma2 semaphore(%run_scoped3A : memref<!tpu.dma_semaphore, #tpu.memory_space<semaphore_mem>>) src(%dma_wait3A_67 : memref<2x5120xi32, #tpu.memory_space<hbm>>) dst(%arg6 : memref<2x5120xi32, #tpu.memory_space<vmem>>)
        tpu.yield
      }) : () -> ()
      %dma_start3A_49 = arith.constant 0 : i32
      %dma_start3A_50 = arith.constant 0 : i32
      %dma_start3A_51 = tpu.memref_slice %arg6[%dma_start3A_49, %dma_start3A_50] : memref<2x5120xi32, #tpu.memory_space<vmem>> -> memref<1x128xi32, #tpu.memory_space<vmem>>
      %dma_start3A_52 = tpu.memref_squeeze %dma_start3A_51 : memref<1x128xi32, #tpu.memory_space<vmem>> -> memref<128xi32, #tpu.memory_space<vmem>>
      %dma_start3A_53 = arith.constant 0 : i32
      %dma_start3A_54 = arith.constant 0 : i32
      %dma_start3A_55 = tpu.memref_slice %arg2[%dma_start3A_53, %dma_start3A_54] : memref<10000x128xf32, #tpu.memory_space<hbm>> -> memref<10000x128xf32, #tpu.memory_space<hbm>>
      tpu.enqueue_indirect_dma source(%dma_start3A_55 : memref<10000x128xf32, #tpu.memory_space<hbm>>) target(%arg7 : memref<128x128xf32, #tpu.memory_space<vmem>>) offsets(%dma_start3A_52 : memref<128xi32, #tpu.memory_space<vmem>>) semaphore(%arg10 : memref<!tpu.dma_semaphore, #tpu.memory_space<semaphore_mem>>)
      %scan3A = arith.constant 0 : i32
      %scan3A_56 = arith.constant 0 : i32
      %scan3A_57 = arith.constant 20 : i32
      %scan3A_58 = arith.addi %scan3A_56, %scan3A_57 : i32
      %scan3A_59 = arith.constant 1 : i32
      scf.for %scan3A_61 = %scan3A_56 to %scan3A_58 step %scan3A_59  : i32 {
        %mul3A_62 = arith.constant 2 : i32
        %mul3A_63 = arith.muli %mul3A_62, %scan3A_61 : i32
        %mul3A_64 = arith.constant 128 : i32
        %mul3A_65 = arith.muli %mul3A_63, %mul3A_64 : i32
        %add3A_66 = arith.constant 128 : i32
        %add3A_67 = arith.addi %mul3A_65, %add3A_66 : i32
        %dma_start3A_68 = arith.constant 0 : i32
        %dma_start3A_69 = tpu.memref_slice %arg6[%dma_start3A_68, %add3A_67] : memref<2x5120xi32, #tpu.memory_space<vmem>> -> memref<1x128xi32, #tpu.memory_space<vmem>>
        %dma_start3A_70 = tpu.memref_squeeze %dma_start3A_69 : memref<1x128xi32, #tpu.memory_space<vmem>> -> memref<128xi32, #tpu.memory_space<vmem>>
        %dma_start3A_71 = arith.constant 0 : i32
        %dma_start3A_72 = arith.constant 0 : i32
        %dma_start3A_73 = tpu.memref_slice %arg2[%dma_start3A_71, %dma_start3A_72] : memref<10000x128xf32, #tpu.memory_space<hbm>> -> memref<10000x128xf32, #tpu.memory_space<hbm>>
        tpu.enqueue_indirect_dma source(%dma_start3A_73 : memref<10000x128xf32, #tpu.memory_space<hbm>>) target(%arg8 : memref<128x128xf32, #tpu.memory_space<vmem>>) offsets(%dma_start3A_70 : memref<128xi32, #tpu.memory_space<vmem>>) semaphore(%arg11 : memref<!tpu.dma_semaphore, #tpu.memory_space<semaphore_mem>>)
        %dma_wait3A = arith.constant 0 : i32
        %dma_wait3A_74 = tpu.memref_slice %arg6[%dma_wait3A, %mul3A_65] : memref<2x5120xi32, #tpu.memory_space<vmem>> -> memref<1x128xi32, #tpu.memory_space<vmem>>
        %dma_wait3A_75 = tpu.memref_squeeze %dma_wait3A_74 : memref<1x128xi32, #tpu.memory_space<vmem>> -> memref<128xi32, #tpu.memory_space<vmem>>
        %dma_wait3A_76 = arith.constant 0 : i32
        %dma_wait3A_77 = arith.constant 0 : i32
        %dma_wait3A_78 = tpu.memref_slice %arg2[%dma_wait3A_76, %dma_wait3A_77] : memref<10000x128xf32, #tpu.memory_space<hbm>> -> memref<10000x128xf32, #tpu.memory_space<hbm>>
        tpu.wait_indirect_dma semaphore(%arg10 : memref<!tpu.dma_semaphore, #tpu.memory_space<semaphore_mem>>) src(%dma_wait3A_78 : memref<10000x128xf32, #tpu.memory_space<hbm>>) dst(%arg7 : memref<128x128xf32, #tpu.memory_space<vmem>>)
        %run_scoped3A = arith.constant 1 : i32
        "tpu.region"() ({
          %run_scoped3A_94 = tpu.sem_alloc : memref<!tpu.dma_semaphore, #tpu.memory_space<semaphore_mem>>
          %dma_start3A_95 = tpu.memref_slice %arg6[%run_scoped3A, %mul3A_65] : memref<2x5120xi32, #tpu.memory_space<vmem>> -> memref<1x128xi32, #tpu.memory_space<vmem>>
          %dma_start3A_96 = tpu.memref_squeeze %dma_start3A_95 : memref<1x128xi32, #tpu.memory_space<vmem>> -> memref<128xi32, #tpu.memory_space<vmem>>
          %dma_start3A_97 = arith.constant 0 : i32
          %dma_start3A_98 = arith.constant 0 : i32
          %dma_start3A_99 = tpu.memref_slice %arg9[%dma_start3A_97, %dma_start3A_98] : memref<10000x128xf32, #tpu.memory_space<vmem_shared>> -> memref<10000x128xf32, #tpu.memory_space<vmem_shared>>
          tpu.enqueue_indirect_dma source(%arg7 : memref<128x128xf32, #tpu.memory_space<vmem>>) target(%dma_start3A_99 : memref<10000x128xf32, #tpu.memory_space<vmem_shared>>) offsets(%dma_start3A_96 : memref<128xi32, #tpu.memory_space<vmem>>) semaphore(%run_scoped3A_94 : memref<!tpu.dma_semaphore, #tpu.memory_space<semaphore_mem>>) {add = true}
          %dma_wait3A_100 = tpu.memref_slice %arg6[%run_scoped3A, %mul3A_65] : memref<2x5120xi32, #tpu.memory_space<vmem>> -> memref<1x128xi32, #tpu.memory_space<vmem>>
          %dma_wait3A_101 = tpu.memref_squeeze %dma_wait3A_100 : memref<1x128xi32, #tpu.memory_space<vmem>> -> memref<128xi32, #tpu.memory_space<vmem>>
          %dma_wait3A_102 = arith.constant 0 : i32
          %dma_wait3A_103 = arith.constant 0 : i32
          %dma_wait3A_104 = tpu.memref_slice %arg9[%dma_wait3A_102, %dma_wait3A_103] : memref<10000x128xf32, #tpu.memory_space<vmem_shared>> -> memref<10000x128xf32, #tpu.memory_space<vmem_shared>>
          tpu.wait_indirect_dma semaphore(%run_scoped3A_94 : memref<!tpu.dma_semaphore, #tpu.memory_space<semaphore_mem>>) src(%arg7 : memref<128x128xf32, #tpu.memory_space<vmem>>) dst(%dma_wait3A_104 : memref<10000x128xf32, #tpu.memory_space<vmem_shared>>)
          tpu.yield
        }) : () -> ()
        %lt3A = arith.constant 19 : i32
        %lt3A_79 = arith.cmpi slt, %scan3A_61, %lt3A : i32
        %convert_element_type3A_80 = arith.extui %lt3A_79 : i1 to i32
        %cond3A_81 = arith.constant 0 : i32
        %cond3A_82 = arith.cmpi ne, %convert_element_type3A_80, %cond3A_81 : i32
        scf.if %cond3A_82 {
          %add3A_94 = arith.constant 256 : i32
          %add3A_95 = arith.addi %mul3A_65, %add3A_94 : i32
          %dma_start3A_96 = arith.constant 0 : i32
          %dma_start3A_97 = tpu.memref_slice %arg6[%dma_start3A_96, %add3A_95] : memref<2x5120xi32, #tpu.memory_space<vmem>> -> memref<1x128xi32, #tpu.memory_space<vmem>>
          %dma_start3A_98 = tpu.memref_squeeze %dma_start3A_97 : memref<1x128xi32, #tpu.memory_space<vmem>> -> memref<128xi32, #tpu.memory_space<vmem>>
          %dma_start3A_99 = arith.constant 0 : i32
          %dma_start3A_100 = arith.constant 0 : i32
          %dma_start3A_101 = tpu.memref_slice %arg2[%dma_start3A_99, %dma_start3A_100] : memref<10000x128xf32, #tpu.memory_space<hbm>> -> memref<10000x128xf32, #tpu.memory_space<hbm>>
          tpu.enqueue_indirect_dma source(%dma_start3A_101 : memref<10000x128xf32, #tpu.memory_space<hbm>>) target(%arg7 : memref<128x128xf32, #tpu.memory_space<vmem>>) offsets(%dma_start3A_98 : memref<128xi32, #tpu.memory_space<vmem>>) semaphore(%arg10 : memref<!tpu.dma_semaphore, #tpu.memory_space<semaphore_mem>>)
        } else {
        }
        %add3A_83 = arith.constant 128 : i32
        %add3A_84 = arith.addi %mul3A_65, %add3A_83 : i32
        %dma_wait3A_85 = arith.constant 0 : i32
        %dma_wait3A_86 = tpu.memref_slice %arg6[%dma_wait3A_85, %add3A_84] : memref<2x5120xi32, #tpu.memory_space<vmem>> -> memref<1x128xi32, #tpu.memory_space<vmem>>
        %dma_wait3A_87 = tpu.memref_squeeze %dma_wait3A_86 : memref<1x128xi32, #tpu.memory_space<vmem>> -> memref<128xi32, #tpu.memory_space<vmem>>
        %dma_wait3A_88 = arith.constant 0 : i32
        %dma_wait3A_89 = arith.constant 0 : i32
        %dma_wait3A_90 = tpu.memref_slice %arg2[%dma_wait3A_88, %dma_wait3A_89] : memref<10000x128xf32, #tpu.memory_space<hbm>> -> memref<10000x128xf32, #tpu.memory_space<hbm>>
        tpu.wait_indirect_dma semaphore(%arg11 : memref<!tpu.dma_semaphore, #tpu.memory_space<semaphore_mem>>) src(%dma_wait3A_90 : memref<10000x128xf32, #tpu.memory_space<hbm>>) dst(%arg8 : memref<128x128xf32, #tpu.memory_space<vmem>>)
        %add3A_91 = arith.constant 128 : i32
        %add3A_92 = arith.addi %mul3A_65, %add3A_91 : i32
        %run_scoped3A_93 = arith.constant 1 : i32
        "tpu.region"() ({
          %run_scoped3A_94 = tpu.sem_alloc : memref<!tpu.dma_semaphore, #tpu.memory_space<semaphore_mem>>
          %dma_start3A_95 = tpu.memref_slice %arg6[%run_scoped3A_93, %add3A_92] : memref<2x5120xi32, #tpu.memory_space<vmem>> -> memref<1x128xi32, #tpu.memory_space<vmem>>
          %dma_start3A_96 = tpu.memref_squeeze %dma_start3A_95 : memref<1x128xi32, #tpu.memory_space<vmem>> -> memref<128xi32, #tpu.memory_space<vmem>>
          %dma_start3A_97 = arith.constant 0 : i32
          %dma_start3A_98 = arith.constant 0 : i32
          %dma_start3A_99 = tpu.memref_slice %arg9[%dma_start3A_97, %dma_start3A_98] : memref<10000x128xf32, #tpu.memory_space<vmem_shared>> -> memref<10000x128xf32, #tpu.memory_space<vmem_shared>>
          tpu.enqueue_indirect_dma source(%arg8 : memref<128x128xf32, #tpu.memory_space<vmem>>) target(%dma_start3A_99 : memref<10000x128xf32, #tpu.memory_space<vmem_shared>>) offsets(%dma_start3A_96 : memref<128xi32, #tpu.memory_space<vmem>>) semaphore(%run_scoped3A_94 : memref<!tpu.dma_semaphore, #tpu.memory_space<semaphore_mem>>) {add = true}
          %dma_wait3A_100 = tpu.memref_slice %arg6[%run_scoped3A_93, %add3A_92] : memref<2x5120xi32, #tpu.memory_space<vmem>> -> memref<1x128xi32, #tpu.memory_space<vmem>>
          %dma_wait3A_101 = tpu.memref_squeeze %dma_wait3A_100 : memref<1x128xi32, #tpu.memory_space<vmem>> -> memref<128xi32, #tpu.memory_space<vmem>>
          %dma_wait3A_102 = arith.constant 0 : i32
          %dma_wait3A_103 = arith.constant 0 : i32
          %dma_wait3A_104 = tpu.memref_slice %arg9[%dma_wait3A_102, %dma_wait3A_103] : memref<10000x128xf32, #tpu.memory_space<vmem_shared>> -> memref<10000x128xf32, #tpu.memory_space<vmem_shared>>
          tpu.wait_indirect_dma semaphore(%run_scoped3A_94 : memref<!tpu.dma_semaphore, #tpu.memory_space<semaphore_mem>>) src(%arg8 : memref<128x128xf32, #tpu.memory_space<vmem>>) dst(%dma_wait3A_104 : memref<10000x128xf32, #tpu.memory_space<vmem_shared>>)
          tpu.yield
        }) : () -> ()
      }
      %scan3A_60 = arith.constant 20 : i32
    } else {
    }
    %barrier3A_35 = arith.constant 0 : index
    tpu.barrier barrier_id(%barrier3A_35)
    %mul3A_36 = arith.constant 624 : i32
    %mul3A_37 = arith.muli %arg1, %mul3A_36 : i32
    %mul3A_38 = arith.constant 624 : i32
    %mul3A_39 = arith.muli %arg1, %mul3A_38 : i32
    "tpu.region"() ({
      %run_scoped3A = tpu.sem_alloc : memref<!tpu.dma_semaphore, #tpu.memory_space<semaphore_mem>>
      %dma_start3A_45 = arith.constant 0 : i32
      %dma_start3A_46 = tpu.memref_slice %arg5[%arg0, %mul3A_39, %dma_start3A_45] : memref<2x10000x128xf32, #tpu.memory_space<hbm>> -> memref<1x624x128xf32, #tpu.memory_space<hbm>>
      %dma_start3A_47 = tpu.memref_squeeze %dma_start3A_46 : memref<1x624x128xf32, #tpu.memory_space<hbm>> -> memref<624x128xf32, #tpu.memory_space<hbm>>
      %dma_start3A_48 = arith.constant 0 : i32
      %dma_start3A_49 = tpu.memref_slice %arg9[%mul3A_37, %dma_start3A_48] : memref<10000x128xf32, #tpu.memory_space<vmem_shared>> -> memref<624x128xf32, #tpu.memory_space<vmem_shared>>
      tpu.enqueue_dma source(%dma_start3A_49 : memref<624x128xf32, #tpu.memory_space<vmem_shared>>) target(%dma_start3A_47 : memref<624x128xf32, #tpu.memory_space<hbm>>) target_semaphore(%run_scoped3A : memref<!tpu.dma_semaphore, #tpu.memory_space<semaphore_mem>>)
      %dma_wait3A = arith.constant 0 : i32
      %dma_wait3A_50 = tpu.memref_slice %arg5[%arg0, %mul3A_39, %dma_wait3A] : memref<2x10000x128xf32, #tpu.memory_space<hbm>> -> memref<1x624x128xf32, #tpu.memory_space<hbm>>
      %dma_wait3A_51 = tpu.memref_squeeze %dma_wait3A_50 : memref<1x624x128xf32, #tpu.memory_space<hbm>> -> memref<624x128xf32, #tpu.memory_space<hbm>>
      %dma_wait3A_52 = arith.constant 0 : i32
      %dma_wait3A_53 = tpu.memref_slice %arg9[%mul3A_37, %dma_wait3A_52] : memref<10000x128xf32, #tpu.memory_space<vmem_shared>> -> memref<624x128xf32, #tpu.memory_space<vmem_shared>>
      tpu.wait_dma2 semaphore(%run_scoped3A : memref<!tpu.dma_semaphore, #tpu.memory_space<semaphore_mem>>) src(%dma_wait3A_53 : memref<624x128xf32, #tpu.memory_space<vmem_shared>>) dst(%dma_wait3A_51 : memref<624x128xf32, #tpu.memory_space<hbm>>)
      tpu.yield
    }) : () -> ()
    %eq3A_40 = arith.constant 0 : i32
    %eq3A_41 = arith.cmpi eq, %arg1, %eq3A_40 : i32
    %convert_element_type3A_42 = arith.extui %eq3A_41 : i1 to i32
    %cond3A_43 = arith.constant 0 : i32
    %cond3A_44 = arith.cmpi ne, %convert_element_type3A_42, %cond3A_43 : i32
    scf.if %cond3A_44 {
      "tpu.region"() ({
        %run_scoped3A = tpu.sem_alloc : memref<!tpu.dma_semaphore, #tpu.memory_space<semaphore_mem>>
        %dma_start3A_45 = arith.constant 9984 : i32
        %dma_start3A_46 = arith.constant 0 : i32
        %dma_start3A_47 = tpu.memref_slice %arg5[%arg0, %dma_start3A_45, %dma_start3A_46] : memref<2x10000x128xf32, #tpu.memory_space<hbm>> -> memref<1x16x128xf32, #tpu.memory_space<hbm>>
        %dma_start3A_48 = tpu.memref_squeeze %dma_start3A_47 : memref<1x16x128xf32, #tpu.memory_space<hbm>> -> memref<16x128xf32, #tpu.memory_space<hbm>>
        %dma_start3A_49 = arith.constant 9984 : i32
        %dma_start3A_50 = arith.constant 0 : i32
        %dma_start3A_51 = tpu.memref_slice %arg9[%dma_start3A_49, %dma_start3A_50] : memref<10000x128xf32, #tpu.memory_space<vmem_shared>> -> memref<16x128xf32, #tpu.memory_space<vmem_shared>>
        tpu.enqueue_dma source(%dma_start3A_51 : memref<16x128xf32, #tpu.memory_space<vmem_shared>>) target(%dma_start3A_48 : memref<16x128xf32, #tpu.memory_space<hbm>>) target_semaphore(%run_scoped3A : memref<!tpu.dma_semaphore, #tpu.memory_space<semaphore_mem>>)
        %dma_wait3A = arith.constant 9984 : i32
        %dma_wait3A_52 = arith.constant 0 : i32
        %dma_wait3A_53 = tpu.memref_slice %arg5[%arg0, %dma_wait3A, %dma_wait3A_52] : memref<2x10000x128xf32, #tpu.memory_space<hbm>> -> memref<1x16x128xf32, #tpu.memory_space<hbm>>
        %dma_wait3A_54 = tpu.memref_squeeze %dma_wait3A_53 : memref<1x16x128xf32, #tpu.memory_space<hbm>> -> memref<16x128xf32, #tpu.memory_space<hbm>>
        %dma_wait3A_55 = arith.constant 9984 : i32
        %dma_wait3A_56 = arith.constant 0 : i32
        %dma_wait3A_57 = tpu.memref_slice %arg9[%dma_wait3A_55, %dma_wait3A_56] : memref<10000x128xf32, #tpu.memory_space<vmem_shared>> -> memref<16x128xf32, #tpu.memory_space<vmem_shared>>
        tpu.wait_dma2 semaphore(%run_scoped3A : memref<!tpu.dma_semaphore, #tpu.memory_space<semaphore_mem>>) src(%dma_wait3A_57 : memref<16x128xf32, #tpu.memory_space<vmem_shared>>) dst(%dma_wait3A_54 : memref<16x128xf32, #tpu.memory_space<hbm>>)
        tpu.yield
      }) : () -> ()
    } else {
    }
    return
  }
}

module attributes {stable_mosaic.version = 14 : i64} {
  func.func @_mlp_body(%arg0: i32, %arg1: memref<1xf32, #tpu.memory_space<smem>>, %arg2: memref<2000x128xf32, #tpu.memory_space<vmem>>, %arg3: memref<1x2000x128xf32, #tpu.memory_space<vmem>>, %arg4: memref<1x2000x128xf32, #tpu.memory_space<vmem>>, %arg5: memref<128x128xbf16, #tpu.memory_space<vmem>>, %arg6: memref<1x128xf32, #tpu.memory_space<vmem>>, %arg7: memref<128x128xbf16, #tpu.memory_space<vmem>>, %arg8: memref<1x128xf32, #tpu.memory_space<vmem>>, %arg9: memref<128x128xbf16, #tpu.memory_space<vmem>>, %arg10: memref<1x128xf32, #tpu.memory_space<vmem>>, %arg11: memref<128x128xbf16, #tpu.memory_space<vmem>>, %arg12: memref<1x128xf32, #tpu.memory_space<vmem>>, %arg13: memref<2000x128xf32, #tpu.memory_space<vmem>>) attributes {dimension_semantics = [#tpu.dimension_semantics<arbitrary>], iteration_bounds = array<i64: 5>, scalar_prefetch = 0 : i64, scratch_operands = 0 : i64, tpu.core_type = #tpu.core_type<tc>, window_params = [{transform_indices = @transform_0, window_bounds = array<i64: 1>}, {transform_indices = @transform_1, window_bounds = array<i64: 2000, 128>}, {transform_indices = @transform_2, window_bounds = array<i64: 1, 2000, 128>}, {transform_indices = @transform_3, window_bounds = array<i64: 1, 2000, 128>}, {pipeline_mode = #tpu.pipeline_mode<synchronous>, transform_indices = @transform_4, window_bounds = array<i64: 128, 128>}, {pipeline_mode = #tpu.pipeline_mode<synchronous>, transform_indices = @transform_5, window_bounds = array<i64: 1, 128>}, {pipeline_mode = #tpu.pipeline_mode<synchronous>, transform_indices = @transform_6, window_bounds = array<i64: 128, 128>}, {pipeline_mode = #tpu.pipeline_mode<synchronous>, transform_indices = @transform_7, window_bounds = array<i64: 1, 128>}, {pipeline_mode = #tpu.pipeline_mode<synchronous>, transform_indices = @transform_8, window_bounds = array<i64: 128, 128>}, {pipeline_mode = #tpu.pipeline_mode<synchronous>, transform_indices = @transform_9, window_bounds = array<i64: 1, 128>}, {pipeline_mode = #tpu.pipeline_mode<synchronous>, transform_indices = @transform_10, window_bounds = array<i64: 128, 128>}, {pipeline_mode = #tpu.pipeline_mode<synchronous>, transform_indices = @transform_11, window_bounds = array<i64: 1, 128>}, {transform_indices = @transform_12, window_bounds = array<i64: 2000, 128>}]} {
    %get3A = arith.constant 0 : index
    %get3A_0 = memref.load %arg1[%get3A] : memref<1xf32, #tpu.memory_space<smem>>
    %add3A = arith.constant 1.000000e+00 : f32
    %add3A_1 = arith.addf %add3A, %get3A_0 : f32
    %get3A_2 = arith.constant 0 : index
    %get3A_3 = arith.constant 0 : index
    %get3A_4 = vector.load %arg2[%get3A_2, %get3A_3] : memref<2000x128xf32, #tpu.memory_space<vmem>>, vector<2000x128xf32>
    %mul3A = vector.broadcast %add3A_1 : f32 to vector<2000x128xf32>
    %mul3A_5 = arith.mulf %mul3A, %get3A_4 : vector<2000x128xf32>
    %get3A_6 = arith.constant 0 : index
    %get3A_7 = arith.constant 0 : index
    %get3A_8 = arith.constant 0 : index
    %get3A_9 = vector.load %arg3[%get3A_6, %get3A_7, %get3A_8] : memref<1x2000x128xf32, #tpu.memory_space<vmem>>, vector<1x2000x128xf32>
    %get3A_10 = vector.shape_cast %get3A_9 : vector<1x2000x128xf32> to vector<2000x128xf32>
    %add3A_11 = arith.addf %mul3A_5, %get3A_10 : vector<2000x128xf32>
    %get3A_12 = arith.constant 0 : index
    %get3A_13 = arith.constant 0 : index
    %get3A_14 = arith.constant 0 : index
    %get3A_15 = vector.load %arg4[%get3A_12, %get3A_13, %get3A_14] : memref<1x2000x128xf32, #tpu.memory_space<vmem>>, vector<1x2000x128xf32>
    %get3A_16 = vector.shape_cast %get3A_15 : vector<1x2000x128xf32> to vector<2000x128xf32>
    %add3A_17 = arith.addf %add3A_11, %get3A_16 : vector<2000x128xf32>
    %convert_element_type3A = arith.truncf %add3A_17 : vector<2000x128xf32> to vector<2000x128xbf16>
    %get3A_18 = arith.constant 0 : index
    %get3A_19 = arith.constant 0 : index
    %get3A_20 = vector.load %arg5[%get3A_18, %get3A_19] : memref<128x128xbf16, #tpu.memory_space<vmem>>, vector<128x128xbf16>
    %dot_general3A = arith.constant dense<0.000000e+00> : vector<2000x128xf32>
    %dot_general3A_21 = tpu.matmul %convert_element_type3A, %get3A_20, %dot_general3A {dimension_numbers = #tpu.dot_dimension_numbers<[1], [0], [0], [1], [0, 0, 1, 1], [], []>, transpose_lhs_hint = false} : vector<2000x128xbf16>, vector<128x128xbf16>, vector<2000x128xf32> -> vector<2000x128xf32>
    %get3A_22 = arith.constant 0 : index
    %get3A_23 = arith.constant 0 : index
    %get3A_24 = vector.load %arg6[%get3A_22, %get3A_23] : memref<1x128xf32, #tpu.memory_space<vmem>>, vector<1x128xf32>
    %add3A_25 = vector.broadcast %get3A_24 : vector<1x128xf32> to vector<2000x128xf32>
    %add3A_26 = arith.addf %dot_general3A_21, %add3A_25 : vector<2000x128xf32>
    %max3A = arith.constant 0.000000e+00 : f32
    %max3A_27 = vector.broadcast %max3A : f32 to vector<2000x128xf32>
    %max3A_28 = arith.maximumf %add3A_26, %max3A_27 : vector<2000x128xf32>
    %convert_element_type3A_29 = arith.truncf %max3A_28 : vector<2000x128xf32> to vector<2000x128xbf16>
    %get3A_30 = arith.constant 0 : index
    %get3A_31 = arith.constant 0 : index
    %get3A_32 = vector.load %arg7[%get3A_30, %get3A_31] : memref<128x128xbf16, #tpu.memory_space<vmem>>, vector<128x128xbf16>
    %dot_general3A_33 = arith.constant dense<0.000000e+00> : vector<2000x128xf32>
    %dot_general3A_34 = tpu.matmul %convert_element_type3A_29, %get3A_32, %dot_general3A_33 {dimension_numbers = #tpu.dot_dimension_numbers<[1], [0], [0], [1], [0, 0, 1, 1], [], []>, transpose_lhs_hint = false} : vector<2000x128xbf16>, vector<128x128xbf16>, vector<2000x128xf32> -> vector<2000x128xf32>
    %get3A_35 = arith.constant 0 : index
    %get3A_36 = arith.constant 0 : index
    %get3A_37 = vector.load %arg8[%get3A_35, %get3A_36] : memref<1x128xf32, #tpu.memory_space<vmem>>, vector<1x128xf32>
    %add3A_38 = vector.broadcast %get3A_37 : vector<1x128xf32> to vector<2000x128xf32>
    %add3A_39 = arith.addf %dot_general3A_34, %add3A_38 : vector<2000x128xf32>
    %convert_element_type3A_40 = arith.truncf %add3A_39 : vector<2000x128xf32> to vector<2000x128xbf16>
    %get3A_41 = arith.constant 0 : index
    %get3A_42 = arith.constant 0 : index
    %get3A_43 = vector.load %arg9[%get3A_41, %get3A_42] : memref<128x128xbf16, #tpu.memory_space<vmem>>, vector<128x128xbf16>
    %dot_general3A_44 = arith.constant dense<0.000000e+00> : vector<2000x128xf32>
    %dot_general3A_45 = tpu.matmul %convert_element_type3A_40, %get3A_43, %dot_general3A_44 {dimension_numbers = #tpu.dot_dimension_numbers<[1], [0], [0], [1], [0, 0, 1, 1], [], []>, transpose_lhs_hint = false} : vector<2000x128xbf16>, vector<128x128xbf16>, vector<2000x128xf32> -> vector<2000x128xf32>
    %get3A_46 = arith.constant 0 : index
    %get3A_47 = arith.constant 0 : index
    %get3A_48 = vector.load %arg10[%get3A_46, %get3A_47] : memref<1x128xf32, #tpu.memory_space<vmem>>, vector<1x128xf32>
    %add3A_49 = vector.broadcast %get3A_48 : vector<1x128xf32> to vector<2000x128xf32>
    %add3A_50 = arith.addf %dot_general3A_45, %add3A_49 : vector<2000x128xf32>
    %max3A_51 = arith.constant 0.000000e+00 : f32
    %max3A_52 = vector.broadcast %max3A_51 : f32 to vector<2000x128xf32>
    %max3A_53 = arith.maximumf %add3A_50, %max3A_52 : vector<2000x128xf32>
    %convert_element_type3A_54 = arith.truncf %max3A_53 : vector<2000x128xf32> to vector<2000x128xbf16>
    %get3A_55 = arith.constant 0 : index
    %get3A_56 = arith.constant 0 : index
    %get3A_57 = vector.load %arg11[%get3A_55, %get3A_56] : memref<128x128xbf16, #tpu.memory_space<vmem>>, vector<128x128xbf16>
    %dot_general3A_58 = arith.constant dense<0.000000e+00> : vector<2000x128xf32>
    %dot_general3A_59 = tpu.matmul %convert_element_type3A_54, %get3A_57, %dot_general3A_58 {dimension_numbers = #tpu.dot_dimension_numbers<[1], [0], [0], [1], [0, 0, 1, 1], [], []>, transpose_lhs_hint = false} : vector<2000x128xbf16>, vector<128x128xbf16>, vector<2000x128xf32> -> vector<2000x128xf32>
    %get3A_60 = arith.constant 0 : index
    %get3A_61 = arith.constant 0 : index
    %get3A_62 = vector.load %arg12[%get3A_60, %get3A_61] : memref<1x128xf32, #tpu.memory_space<vmem>>, vector<1x128xf32>
    %add3A_63 = vector.broadcast %get3A_62 : vector<1x128xf32> to vector<2000x128xf32>
    %add3A_64 = arith.addf %dot_general3A_59, %add3A_63 : vector<2000x128xf32>
    %logistic3A = arith.negf %add3A_64 : vector<2000x128xf32>
    %logistic3A_65 = math.exp %logistic3A : vector<2000x128xf32>
    %logistic3A_66 = arith.constant 1.000000e+00 : f32
    %logistic3A_67 = vector.broadcast %logistic3A_66 : f32 to vector<2000x128xf32>
    %logistic3A_68 = arith.addf %logistic3A_67, %logistic3A_65 : vector<2000x128xf32>
    %logistic3A_69 = arith.divf %logistic3A_67, %logistic3A_68 : vector<2000x128xf32>
    %swap3A = arith.constant 0 : index
    %swap3A_70 = arith.constant 0 : index
    %swap3A_71 = vector.load %arg13[%swap3A, %swap3A_70] : memref<2000x128xf32, #tpu.memory_space<vmem>>, vector<2000x128xf32>
    tpu.vector_store %arg13[%swap3A, %swap3A_70], %logistic3A_69 {strides = array<i32>} : memref<2000x128xf32, #tpu.memory_space<vmem>>, vector<2000x128xf32>,
    return
  }
  func.func @transform_0(%arg0: i32) -> i32 {
    %c0_i32 = arith.constant 0 : i32
    %c0_i32_0 = arith.constant 0 : i32
    return %c0_i32 : i32
  }
  func.func @transform_1(%arg0: i32) -> (i32, i32) {
    %c0_i32 = arith.constant 0 : i32
    %c0_i32_0 = arith.constant 0 : i32
    return %arg0, %c0_i32 : i32, i32
  }
  func.func @transform_2(%arg0: i32) -> (i32, i32, i32) {
    %c0_i32 = arith.constant 0 : i32
    %c0_i32_0 = arith.constant 0 : i32
    %c0_i32_1 = arith.constant 0 : i32
    return %c0_i32, %arg0, %c0_i32_0 : i32, i32, i32
  }
  func.func @transform_3(%arg0: i32) -> (i32, i32, i32) {
    %c1_i32 = arith.constant 1 : i32
    %c0_i32 = arith.constant 0 : i32
    %c0_i32_0 = arith.constant 0 : i32
    return %c1_i32, %arg0, %c0_i32 : i32, i32, i32
  }
  func.func @transform_4(%arg0: i32) -> (i32, i32) {
    %c0_i32 = arith.constant 0 : i32
    %c0_i32_0 = arith.constant 0 : i32
    %c0_i32_1 = arith.constant 0 : i32
    return %c0_i32, %c0_i32_0 : i32, i32
  }
  func.func @transform_5(%arg0: i32) -> (i32, i32) {
    %c0_i32 = arith.constant 0 : i32
    %c0_i32_0 = arith.constant 0 : i32
    %c0_i32_1 = arith.constant 0 : i32
    return %c0_i32, %c0_i32_0 : i32, i32
  }
  func.func @transform_6(%arg0: i32) -> (i32, i32) {
    %c0_i32 = arith.constant 0 : i32
    %c0_i32_0 = arith.constant 0 : i32
    %c0_i32_1 = arith.constant 0 : i32
    return %c0_i32, %c0_i32_0 : i32, i32
  }
  func.func @transform_7(%arg0: i32) -> (i32, i32) {
    %c0_i32 = arith.constant 0 : i32
    %c0_i32_0 = arith.constant 0 : i32
    %c0_i32_1 = arith.constant 0 : i32
    return %c0_i32, %c0_i32_0 : i32, i32
  }
  func.func @transform_8(%arg0: i32) -> (i32, i32) {
    %c0_i32 = arith.constant 0 : i32
    %c0_i32_0 = arith.constant 0 : i32
    %c0_i32_1 = arith.constant 0 : i32
    return %c0_i32, %c0_i32_0 : i32, i32
  }
  func.func @transform_9(%arg0: i32) -> (i32, i32) {
    %c0_i32 = arith.constant 0 : i32
    %c0_i32_0 = arith.constant 0 : i32
    %c0_i32_1 = arith.constant 0 : i32
    return %c0_i32, %c0_i32_0 : i32, i32
  }
  func.func @transform_10(%arg0: i32) -> (i32, i32) {
    %c0_i32 = arith.constant 0 : i32
    %c0_i32_0 = arith.constant 0 : i32
    %c0_i32_1 = arith.constant 0 : i32
    return %c0_i32, %c0_i32_0 : i32, i32
  }
  func.func @transform_11(%arg0: i32) -> (i32, i32) {
    %c0_i32 = arith.constant 0 : i32
    %c0_i32_0 = arith.constant 0 : i32
    %c0_i32_1 = arith.constant 0 : i32
    return %c0_i32, %c0_i32_0 : i32, i32
  }
  func.func @transform_12(%arg0: i32) -> (i32, i32) {
    %c0_i32 = arith.constant 0 : i32
    %c0_i32_0 = arith.constant 0 : i32
    return %arg0, %c0_i32 : i32, i32
  }
}

</mosaic_0001>

<sc_bundles>
// kernel: kernel.4.cloned.1.call-start
scs
__scs_entry_jumppad:
0x0: {  	(pc) =	sbr.rel $0x88, $3  }
0x1: {  	(tag) =	ssettag $0x0;
	lr =	simm.s32 $0x1  }
0x2: {  	[smem:$0x3F96] =	sst lr;
	_ =	strace $0xD0000000  }
0x3: {  	_ = 	snop  }
0x4: {  	_ = 	snop  }
0x5: {  	_ = 	snop  }
0x6: {  	_ = 	snop  }
0x7: {  	_ = 	snop  }
__scs_overlays_trampoline_lowered:
0x8: {  	[smem:$0x3FA5] =	sst s0  }
0x9: {  	[smem:$0x3FA6] =	sst s1  }
0xa: {  	[smem:$0x3FA7] =	sst s2  }
0xb: {  	[smem:$0x3FA8] =	sst s3  }
0xc: {  	[smem:$0x3FA9] =	sst s4  }
0xd: {  	[smem:$0x3FAA] =	sst s5  }
0xe: {  	[smem:$0x3FAB] =	sst s6  }
0xf: {  	[smem:$0x3FAC] =	sst s7  }
0x10: {  	[smem:$0x3FAD] =	sst s8  }
0x11: {  	[smem:$0x3FAE] =	sst s9;
	s0 =	simm.s32 @!p0 $0x0  }
0x12: {  	s1 =	sld [smem:$0x3F94];
	s0 =	simm.s32 @p0 $0x1  }
0x13: {  	[smem:$0x3FAF] =	sst s0;
	s0 =	simm.s32 @!p1 $0x0  }
0x14: {  	s2 =	sld [smem:$0x3F93];
	s0 =	simm.s32 @p1 $0x1  }
0x15: {  	[smem:$0x3FB0] =	sst s0;
	s0 =	simm.s32 @!p2 $0x0  }
0x16: {  	s3 =	sld [smem:$0x3FDB];
	s0 =	simm.s32 @p2 $0x1  }
0x17: {  	s4 =	simm.s32 $0x1BF5;
	[smem:$0x3FB2] =	sst s0  }
0x18: {  	s0 =	sld [smem:$0x3F95];
	_ =	swait.ge [sflag:s4], $0x0  }
0x19: {  	s7 =	sld [smem:$0x3F96]  }
0x1a: {  	s8 =	sadd.s32 $0xFFFFE003, lr  }
0x1b: {  	s9 =	sadd.s32 $0xFFFFFEF7, lr;
	s5 =	simm.s32 $0xFFFFFFFF;
	p2 =	slt.u32 s8, $0xFFFFF086  }
0x1c: {  	p1 =	slt.u32 s9, $0xF7A;
	s5 =	simm.s32 @!p2 $0x0  }
0x1d: {  	s5 =	simm.s32 @p1 $0x1;
	p0 =	seq.s32 s7, s2  }
0x1e: {  	s7 =	smul.u32 @!p0 $0xF7A, s2;
	p2 =	seq.s32 @!p0 s5, $0x0  }
0x1f: {  	s9 =	smul.u32 $0xF7A, s1;
	s8 =	simm.s32 @!p0 $0x1BF5;
	p2 =	por !p2, p0  }
0x20: {  	[sflag:s8] =	ssyncset.s32 @!p0 $0xFFFFF086;
	s6 =	sadd.s32 @!p0 s3, s7;
	s7 =	simm.s32 @!p0 $0x108  }
0x21: {  	s3 =	sadd.s32 s3, s9;
	s6 =	sadd.s32 @!p0 $0x88, s6;
	s7 =	simm.s32 @p2 $0x1082  }
0x22: {  	[simem:s7], [sflag:s8] =	dma.local @!p0 [hbm:s6], $0xF7A  }
0x23: {  	s9 =	sor.u32 $0xD0000000, s2;
	s6 =	simm.s32 $0x108;
	_ =	swait.ge @!p0 [sflag:s8], $0x0  }
0x24: {  	s3 =	sadd.s32 $0x88, s3;
	s6 =	simm.s32 @!p1 $0x1082;
	[sflag:s4] =	ssyncset.s32 $0xFFFFF086  }
0x25: {  	[simem:s6], [sflag:s4] =	dma.local [hbm:s3], $0xF7A  }
0x26: {  	[smem:$0x3F96] =	sst s1;
	(tag) =	ssettag s2;
	_ =	strace s9  }
0x27: {  	s1 =	sld [smem:$0x3FA6]  }
0x28: {  	s2 =	sld [smem:$0x3FA7]  }
0x29: {  	s4 =	sld [smem:$0x3FA9]  }
0x2a: {  	p0 =	seq.s32 s5, $0x0;
	s5 =	sld [smem:$0x3FAA]  }
0x2b: {  	s6 =	sld [smem:$0x3FAB]  }
0x2c: {  	s7 =	sld [smem:$0x3FAC]  }
0x2d: {  	s3 =	simm.s32 $0x108;
	s8 =	sld [smem:$0x3FAD]  }
0x2e: {  	s3 =	simm.s32 @!p0 $0x1082;
	s9 =	sld [smem:$0x3FAE]  }
0x2f: {  	lr =	sadd.s32 s0, s3;
	s0 =	sld [smem:$0x3FA5]  }
0x30: {  	s3 =	sld [smem:$0x3FA8]  }
0x31: {  	[smem:$0x3FB1] =	sst s10  }
0x32: {  	s10 =	sld [smem:$0x3FAF];
	_ =	sdelay $0x3  }
0x33: {  	p0 =	seq.s32 s10, $0x1;
	s10 =	sld [smem:$0x3FB1];
	_ =	sdelay $0x3  }
0x34: {  	[smem:$0x3FB1] =	sst s10  }
0x35: {  	s10 =	sld [smem:$0x3FB0];
	_ =	sdelay $0x3  }
0x36: {  	p1 =	seq.s32 s10, $0x1;
	s10 =	sld [smem:$0x3FB1];
	_ =	sdelay $0x3  }
0x37: {  	[smem:$0x3FB1] =	sst s10  }
0x38: {  	s10 =	sld [smem:$0x3FB2]  }
0x39: {  	_ = 	snop;
	(pc) =	sbr.ind lr, $3  }
0x3a: {  	_ = 	snop  }
0x3b: {  	_ = 	snop  }
0x3c: {  	p2 =	seq.s32 s10, $0x1;
	s10 =	sld [smem:$0x3FB1]  }
0x3d: {  	_ =	shalt  }
0x3e: {  	_ =	shalt  }
0x3f: {  	_ =	shalt  }
0x40: {  	_ =	shalt  }
0x41: {  	_ =	shalt  }
0x42: {  	_ =	shalt  }
0x43: {  	_ =	shalt  }
0x44: {  	_ =	shalt  }
0x45: {  	_ =	shalt  }
0x46: {  	_ =	shalt  }
0x47: {  	_ =	shalt  }
0x48: {  	_ =	shalt  }
0x49: {  	_ =	shalt  }
0x4a: {  	_ =	shalt  }
0x4b: {  	_ =	shalt  }
0x4c: {  	_ =	shalt  }
0x4d: {  	_ =	shalt  }
0x4e: {  	_ =	shalt  }
0x4f: {  	_ =	shalt  }
0x50: {  	_ =	shalt  }
0x51: {  	_ =	shalt  }
0x52: {  	_ =	shalt  }
0x53: {  	_ =	shalt  }
0x54: {  	_ =	shalt  }
0x55: {  	_ =	shalt  }
0x56: {  	_ =	shalt  }
0x57: {  	_ =	shalt  }
0x58: {  	_ =	shalt  }
0x59: {  	_ =	shalt  }
0x5a: {  	_ =	shalt  }
0x5b: {  	_ =	shalt  }
0x5c: {  	_ =	shalt  }
0x5d: {  	_ =	shalt  }
0x5e: {  	_ =	shalt  }
0x5f: {  	_ =	shalt  }
0x60: {  	_ =	shalt  }
0x61: {  	_ =	shalt  }
0x62: {  	_ =	shalt  }
0x63: {  	_ =	shalt  }
0x64: {  	_ =	shalt  }
0x65: {  	_ =	shalt  }
0x66: {  	_ =	shalt  }
0x67: {  	_ =	shalt  }
0x68: {  	_ =	shalt  }
0x69: {  	_ =	shalt  }
0x6a: {  	_ =	shalt  }
0x6b: {  	_ =	shalt  }
0x6c: {  	_ =	shalt  }
0x6d: {  	_ =	shalt  }
0x6e: {  	_ =	shalt  }
0x6f: {  	_ =	shalt  }
0x70: {  	_ =	shalt  }
0x71: {  	_ =	shalt  }
0x72: {  	_ =	shalt  }
0x73: {  	_ =	shalt  }
0x74: {  	_ =	shalt  }
0x75: {  	_ =	shalt  }
0x76: {  	_ =	shalt  }
0x77: {  	_ =	shalt  }
0x78: {  	_ =	shalt  }
0x79: {  	_ =	shalt  }
0x7a: {  	_ =	shalt  }
0x7b: {  	_ =	shalt  }
0x7c: {  	_ =	shalt  }
0x7d: {  	_ =	shalt  }
0x7e: {  	_ =	shalt  }
0x7f: {  	_ =	shalt  }
0x80: {  	_ =	shalt  }
0x81: {  	_ =	shalt  }
0x82: {  	_ =	shalt  }
0x83: {  	_ =	shalt  }
0x84: {  	_ =	shalt  }
0x85: {  	_ =	shalt  }
0x86: {  	_ =	shalt  }
0x87: {  	_ =	shalt  }
.Lfunc_end0:
.L_simem_size_0:
called_computation_lowered:
.L_overlay_start_0:
0x88: {  	s2 =	sld [smem:$0x3FD9]  }
0x89: {  	s3 =	sld [smem:$0x3FFE];
	_ =	sdelay $0x1  }
0x8a: {  	s1 =	srdreg.scid  }
0x8b: {  	s0 =	sand.u32 $0x1, s1  }
0x8c: {  	s17 =	sshll.u32 s0, $0xA;
	s2 =	sadd.s32 s3, s2  }
0x8d: {  	s2 =	sadd.s32 s2, s17  }
0x8e: {  	[smem:$0x3FBD] =	sst s2  }
0x8f: {  	_ = 	snop  }
0x90: {  	s2 =	sld [smem:$0x3FC9]  }
0x91: {  	s18 =	sld [smem:$0x3FC8]  }
0x92: {  	s4 =	sld [smem:$0x3FD0];
	(tm) =	ssettm $0x1  }
0x93: {  	s5 =	sld [smem:$0x3FFB];
	_ =	sdelay $0x3  }
0x94: {  	_ =	strace s5  }
0x95: {  	s5 =	sld [smem:$0x3FFC];
	_ =	sdelay $0x3  }
0x96: {  	_ =	strace s5  }
0x97: {  	s5 =	sld [smem:$0x3FFD];
	_ =	sdelay $0x3  }
0x98: {  	_ =	strace s5  }
0x99: {  	_ =	strace $0x8FFFFFFF  }
0x9a: {  	s19 =	sld [smem:$0x3FDB];
	_ =	sdelay $0x1  }
0x9b: {  	s6 =	simm.s32 $_scs_section_size  }
0x9c: {  	s7 =	simm.s32 $_size__tile_overlayer_lowered;
	s8 =	simm.s32 $_tile_overlayer_lowered  }
0x9d: {  	s22 =	simm.s32 $0x1BFF;
	s21 =	sshll.u32 s8, $0x1;
	s5 =	sadd.s32 s6, s19  }
0x9e: {  	s9 =	simm.s32 $0x0;
	s20 =	sshll.u32 s7, $0x1;
	s7 =	sadd.s32 s21, s5  }
0x9f: {  	[timem:s9], [sflag:s22] =	dma.local [hbm:s7], s20  }
0xa0: {  	_ =	swait.ge [sflag:s22], s20  }
0xa1: {  	s6 =	ssub.s32 $0x0, s20;
	[sflag:s22] =	ssyncset.done $0x0  }
0xa2: {  	[sflag:s22] =	ssyncadd.s32 s6;
	_ =	sdelay $0x1  }
0xa3: {  	s23 =	simm.s32 $0x1B8B  }
0xa4: {  	_ =	swait.ge [sflag:s23], $0x1  }
0xa5: {  	[sflag:s23] =	ssyncset.done $0x0  }
0xa6: {  	s25 =	simm.s32 $0x1B8E;
	s24 =	sld [smem:$0x3FFE];
	[sflag:s23] =	ssyncadd.s32 $0xFFFFFFFF  }
0xa7: {  	s26 =	simm.s32 $execute0_lowered;
	[smem:$0x3FD2] =	sst s25  }
0xa8: {  	s7 =	sshll.u32 s26, $0x1;
	_ =	strace $0x80000046;
	[dreg:$0x1] =	wrdreg $0xFFFFFFFF  }
0xa9: {  	s28 =	simm.s32 $_size_execute0_lowered;
	s5 =	sadd.s32 s5, s7;
	[dreg:$0x0] =	wrdreg $0x0  }
0xaa: {  	s7 =	sshll.u32 s28, $0x1;
	[dreg:$0x2] =	wrdreg s5  }
0xab: {  	[dreg:$0x3] =	wrdreg s7  }
0xac: {  	[dreg:$0x4] =	wrdreg $0xC0  }
0xad: {  	_ =	task [dreg:s9], $0x5FFFF  }
0xae: {  	[dreg:$0x1] =	wrdreg $0xFFFFFFFF  }
0xaf: {  	[dreg:$0x0] =	wrdreg $0x60  }
0xb0: {  	[dreg:$0x2] =	wrdreg s2  }
0xb1: {  	[dreg:$0x3] =	wrdreg s18  }
0xb2: {  	[dreg:$0x4] =	wrdreg s4  }
0xb3: {  	[dreg:$0x5] =	wrdreg s24  }
0xb4: {  	[dreg:$0x6] =	wrdreg $0xA8000  }
0xb5: {  	[dreg:$0x7] =	wrdreg $0x9  }
0xb6: {  	_ =	task.clear_ibuf [dreg:s9], $0x8FFFF;
	_ =	strace $0x90000046  }
0xb7: {  	s29 =	simm.s32 $0x9;
	_ =	strace $0x80000048  }
0xb8: {  	_ =	swait.ge [sflag:s29], $0x1  }
0xb9: {  	[sflag:s29] =	ssyncadd.s32 $0xFFFFFFFF  }
0xba: {  	_ =	strace $0x90000048  }
0xbb: {  	_ =	sfence  }
0xbc: {  	s30 =	sld [smem:$0x0];
	_ =	sdelay $0x2  }
0xbd: {  	s31 =	sshll.u32 s1, $0xD;
	s1 =	sshrl.u32 s1, $0x2  }
0xbe: {  	s3 =	sand.u32 $0x4000, s31;
	s1 =	sadd.s32 s1, s30  }
0xbf: {  	s0 =	sor.u32 s3, s0;
	s1 =	sshll.u32 s1, $0x11  }
0xc0: {  	s0 =	sor.u32 s1, s0  }
0xc1: {  	s0 =	sadd.s32 $0x8F2B, s0  }
0xc2: {  	[sflag:s0] =	ssyncadd.remote.s32 $0x1  }
0xc3: {  	_ =	sfence.sel $0xFFFF  }
0xc4: {  	[dreg:$0x0] =	wrdreg $0xFFFFFFFF;
	(pc) =	sbr.abs _section_cstart, $3  }
0xc5: {  	[dreg:$0x1] =	wrdreg $0xFFFFFFFF  }
0xc6: {  	_ =	task.clear_ibuf [dreg:s9], $0x2FFFF;
	_ =	strace $0x9FFFFFFF  }
0xc7: {  	(tm) =	ssettm $0x7FFFFFFF  }
tec
execute0_lowered:
.L_overlay_start_1:
0x0: {  	(tag) =	ssettag $0x1  }
0x1: {  	s1 =	rddreg [dreg:$0x0]  }
0x2: {  	s9 =	rddreg [dreg:$0x1]  }
0x3: {  	s2 =	rddreg [dreg:$0x2]  }
0x4: {  	s5 =	rddreg [dreg:$0x3]  }
0x5: {  	s3 =	rddreg [dreg:$0x4]  }
0x6: {  	s0 =	rddreg [dreg:$0x5];
	s4 =	simm.s32 $0x0  }
0x7: {  	s6 =	srdreg.scid;
	s14 =	stileid.u32;
	s17 =	simm.s32 $0x3  }
0x8: {  	s19 =	simm.s32 $0x6800;
	s20 =	simm.s32 $0x1;
	s21 =	simm.s32 $0x2  }
0x9: {  	s22 =	simm.s32 $0x2700;
	s23 =	simm.s32 $0x2680;
	[smem:$0x7FF] =	sst s4  }
0xa: {  	s7 =	sand.u32 $0x1, s6;
	s24 =	sshll.u32 s14, $0x1;
	s13 =	smul.u32 $0x4E000, s14  }
0xb: {  	s10 =	sadd.s32 $0x1800, s5;
	s5 =	simm.s32 $0xA;
	s29 =	smul.u32 $0x13800, s14  }
0xc: {  	s18 =	sadd.s32 $0x138000, s3;
	p1 =	sne.s32 s14, $0x0;
	s31 =	sshll.u32 s14, $0x6  }
0xd: {  	s14 =	simm.s32 $0x2800;
	_ =	strace $0x80000047;
	s8 =	ssub.s32 $0x2, s7  }
0xe: {  	s6 =	sor.u32 s7, s24;
	s28 =	smul.u32 $0x138800, s7;
	s7 =	sadd.s32 $0x13600, s9  }
0xf: {  	s18 =	sshrl.u32 @!p1 s18, $0x3;
	s24 =	simm.s32 $0x2780;
	s12 =	smul.u32 $0xA00, s6  }
0x10: {  	s11 =	sshrl.u32 s8, $0x1;
	p0 =	seq.s32 s6, $0x1F;
	s25 =	smul.u32 $0x5000, s6  }
0x11: {  	s26 =	sshrl.u32 s13, $0x2;
	s13 =	simm.s32 $0x80;
	s15 =	ssub.s32 s8, s11  }
0x12: {  	s5 =	simm.s32 @!p0 $0x14;
	s16 =	sadd.s32 s26, s3;
	s30 =	sadd.s32 s29, s28  }
.Ltmp0:
0x13: {  	s6 =	sadd.s32 s9, s12;
	s8 =	sadd.s32 $0xFFFFFFFF, s5;
	(pc) =	sbr.rel .LBB2_1-.Ltmp0, $4  }
0x14: {  	s11 =	sshrl.u32 s25, $0x3;
	s12 =	sshrl.u32 s28, $0x3;
	s16 =	sshrl.u32 s16, $0x3  }
0x15: {  	s25 =	simm.s32 $0x0;
	s9 =	sadd.s32 s9, s11;
	s11 =	sshrl.u32 s30, $0x3  }
0x16: {  	s12 =	sadd.s32 s10, s12;
	s9 =	sadd.s32 $0x500, s9;
	s10 =	sadd.s32 s10, s11  }
0x17: {  	s11 =	sadd.s32 $0x27000, s12;
	s12 =	smax.u32 s15, $0x1;
	s15 =	sor.u32 $0x1C03, s31  }
.LBB2_9:
0x18: {  	[bflag:$0x0] =	sbarrier.arrive $0xFFFF  }
0x19: {  	[hbm:s10], [sflag:s15] =	dma.local [spmem:s16], $0x2700  }
0x1a: {  	s25 =	sadd.s32 $0x1, s25;
	_ =	swait.ge [sflag:s17], $0x2700  }
0x1b: {  	p2 =	sne.s32 s25, s12;
	[sflag:s17] =	ssyncset.done $0x0  }
.Ltmp1:
0x1c: {  	s26 =	simm.s32 @!p1 $0x3;
	[sflag:s17] =	ssyncadd.s32 $0xFFFFD900;
	(pc) =	sbr.rel @!p2 .LBB2_10-.Ltmp1, $4  }
0x1d: {  	[hbm:s11], [sflag:s15] =	dma.local @!p1 [spmem:s18], $0x100  }
0x1e: {  	_ =	swait.ge @!p1 [sflag:s26], $0x100  }
0x1f: {  	[sflag:s26] =	ssyncset.done @!p1 $0x0  }
0x20: {  	[sflag:s26] =	ssyncadd.s32 @!p1 $0xFFFFFF00  }
.LBB2_1:
0x21: {  	s26 =	simm.s32 @p0 $0x0  }
0x22: {  	[tilespmem:s26], [sflag:$0x3] =	stream.linear.gather @p0 [hbm4b:s7+s26], $0x1400, $0x38;
	[tilespmem:$0x1E080] =	vst v63  }
0x23: {  	s26 =	simm.s32 @p0 $0x3  }
0x24: {  	_ =	swait.ge @p0 [sflag:s26], $0x1400  }
0x25: {  	[sflag:s26] =	ssyncset.done @p0 $0x0  }
0x26: {  	[sflag:s26] =	ssyncadd.s32 @p0 $0xFFFFEC00;
	s26 =	simm.s32 @!p0 $0x0  }
0x27: {  	[tilespmem:s26], [sflag:$0x3] =	stream.linear.gather @!p0 [hbm4b:s6+s26], $0x2800, $0x38;
	[tilespmem:$0x1E080] =	vst v63  }
0x28: {  	s26 =	simm.s32 @!p0 $0x3  }
0x29: {  	_ =	swait.ge @!p0 [sflag:s26], $0x2800  }
0x2a: {  	[sflag:s26] =	ssyncset.done @!p0 $0x0  }
0x2b: {  	[sflag:s26] =	ssyncadd.s32 @!p0 $0xFFFFD800  }
0x2c: {  	[tilespmem:s14], [sflag:$0x1] =	stream.indirect.gather [hbm4b:s1+s13], $0x80, s4, s13, $0xb8;
	[tilespmem:$0x1E080] =	vst v63  }
0x2d: {  	[spmem:s16], [sflag:s15] =	dma.local [hbm:s2], $0x2700  }
0x2e: {  	_ =	swait.ge [sflag:s17], $0x2700  }
0x2f: {  	[sflag:s17] =	ssyncset.done $0x0  }
0x30: {  	p3 =	sne.s32 s5, $0x1;
	s26 =	simm.s32 @!p1 $0x3;
	[sflag:s17] =	ssyncadd.s32 $0xFFFFD900  }
0x31: {  	[spmem:s18], [sflag:s15] =	dma.local @!p1 [hbm:s2], $0x100  }
.Ltmp2:
0x32: {  	_ =	swait.ge @!p1 [sflag:s26], $0x100;
	(pc) =	sbr.rel @!p3 .LBB2_2-.Ltmp2, $4  }
0x33: {  	[sflag:s26] =	ssyncset.done @!p1 $0x0  }
0x34: {  	[sflag:s26] =	ssyncadd.s32 @!p1 $0xFFFFFF00  }
0x35: {  	[bflag:$0x0] =	sbarrier.arrive $0xFFFF  }
0x36: {  	s28 =	simm.s32 $0x1;
	p2 =	por $0x0, $0x0;
	s26 =	simm.s32 $0x200  }
0x37: {  	s29 =	simm.s32 $0x100  }
0x38: {  	[tilespmem:s19], [sflag:$0x2] =	stream.indirect.gather [hbm4b:s1+s13], $0x80, s29, s13, $0xb8;
	[tilespmem:$0x1E080] =	vst v63  }
0x39: {  	_ =	swait.ge [sflag:s20], $0x4000  }
0x3a: {  	[sflag:s20] =	ssyncset.done $0x0  }
0x3b: {  	s29 =	simm.s32 $0x80;
	[sflag:s20] =	ssyncadd.s32 $0xFFFFC000  }
0x3c: {  	[spmem:s3] =	stream.indirect.scatter.add.f32 [tilespmem:s14], [sflag:$0x3], $0x80, s29, s13, $0xb8;
	[tilespmem:$0x1E080] =	vst v63  }
0x3d: {  	_ =	swait.ge [sflag:s17], $0x4000  }
0x3e: {  	p2 =	sle.s32 s8, $0x0;
	[sflag:s17] =	ssyncset.done $0x0  }
0x3f: {  	s30 =	simm.s32 @!p2 $0x2800;
	s29 =	simm.s32 @!p2 $0x80;
	[sflag:s17] =	ssyncadd.s32 $0xFFFFC000  }
0x40: {  	[tilespmem:s30], [sflag:$0x1] =	stream.indirect.gather @!p2 [hbm4b:s1+s29], $0x80, s26, s29, $0xb8;
	[tilespmem:$0x1E080] =	vst v63  }
0x41: {  	p3 =	sne.s32 s5, $0x2;
	_ =	swait.ge [sflag:s21], $0x4000  }
.Ltmp3:
0x42: {  	[sflag:s21] =	ssyncset.done $0x0;
	(pc) =	sbr.rel @!p3 .LBB2_5-.Ltmp3, $4  }
0x43: {  	s31 =	simm.s32 $0x180;
	[sflag:s21] =	ssyncadd.s32 $0xFFFFC000  }
0x44: {  	[spmem:s3] =	stream.indirect.scatter.add.f32 [tilespmem:s19], [sflag:$0x3], $0x80, s31, s13, $0xb8;
	[tilespmem:$0x1E080] =	vst v63  }
0x45: {  	s29 =	simm.s32 $0x2;
	_ =	swait.ge [sflag:s17], $0x4000  }
0x46: {  	s26 =	simm.s32 $0x400;
	p2 =	por $0x1, $0x1;
	[sflag:s17] =	ssyncset.done $0x0  }
.LBB2_4:
0x47: {  	s30 =	sadd.s32 $0xFFFFFF00, s26  }
0x48: {  	[sflag:s17] =	ssyncadd.s32 $0xFFFFC000;
	s31 =	smov.u32 s29;
	s29 =	sadd.s32 $0x1, s29  }
0x49: {  	[tilespmem:s19], [sflag:$0x2] =	stream.indirect.gather [hbm4b:s1+s13], $0x80, s30, s13, $0xb8;
	[tilespmem:$0x1E080] =	vst v63  }
0x4a: {  	p3 =	sne.s32 s5, s29;
	_ =	swait.ge [sflag:s20], $0x4000  }
0x4b: {  	[sflag:s20] =	ssyncset.done $0x0  }
0x4c: {  	s30 =	sadd.s32 $0xFFFFFE80, s26;
	[sflag:s20] =	ssyncadd.s32 $0xFFFFC000  }
0x4d: {  	[spmem:s3] =	stream.indirect.scatter.add.f32 [tilespmem:s14], [sflag:$0x3], $0x80, s30, s13, $0xb8;
	[tilespmem:$0x1E080] =	vst v63  }
0x4e: {  	_ =	swait.ge [sflag:s17], $0x4000  }
0x4f: {  	p4 =	sge.s32 s28, s8;
	s28 =	smov.u32 s31;
	[sflag:s17] =	ssyncset.done $0x0  }
0x50: {  	s31 =	simm.s32 @!p4 $0x2800;
	s30 =	simm.s32 @!p4 $0x80;
	[sflag:s17] =	ssyncadd.s32 $0xFFFFC000  }
0x51: {  	[tilespmem:s31], [sflag:$0x1] =	stream.indirect.gather @!p4 [hbm4b:s1+s30], $0x80, s26, s30, $0xb8;
	[tilespmem:$0x1E080] =	vst v63  }
0x52: {  	_ =	swait.ge [sflag:s21], $0x4000  }
.Ltmp4:
0x53: {  	[sflag:s21] =	ssyncset.done $0x0;
	(pc) =	sbr.rel @p3 .LBB2_4-.Ltmp4, $4  }
0x54: {  	s30 =	sadd.s32 $0xFFFFFF80, s26;
	[sflag:s21] =	ssyncadd.s32 $0xFFFFC000  }
0x55: {  	[spmem:s3] =	stream.indirect.scatter.add.f32 [tilespmem:s19], [sflag:$0x3], $0x80, s30, s13, $0xb8;
	[tilespmem:$0x1E080] =	vst v63  }
0x56: {  	_ =	swait.ge [sflag:s17], $0x4000  }
0x57: {  	s26 =	sadd.s32 $0x200, s26;
	[sflag:s17] =	ssyncset.done $0x0  }
.LBB2_5:
0x58: {  	s29 =	sadd.s32 $0xFFFFFF00, s26;
	[sflag:s17] =	ssyncadd.s32 @p2 $0xFFFFC000  }
0x59: {  	[tilespmem:s19], [sflag:$0x2] =	stream.indirect.gather [hbm4b:s1+s13], $0x80, s29, s13, $0xb8;
	[tilespmem:$0x1E080] =	vst v63  }
0x5a: {  	_ =	swait.ge [sflag:s20], $0x4000  }
0x5b: {  	[sflag:s20] =	ssyncset.done $0x0  }
0x5c: {  	s30 =	sadd.s32 $0xFFFFFE80, s26;
	[sflag:s20] =	ssyncadd.s32 $0xFFFFC000  }
0x5d: {  	[spmem:s3] =	stream.indirect.scatter.add.f32 [tilespmem:s14], [sflag:$0x3], $0x80, s30, s13, $0xb8;
	[tilespmem:$0x1E080] =	vst v63  }
0x5e: {  	_ =	swait.ge [sflag:s17], $0x4000  }
0x5f: {  	p2 =	sge.s32 s28, s8;
	[sflag:s17] =	ssyncset.done $0x0  }
0x60: {  	s28 =	simm.s32 @!p2 $0x80;
	s29 =	simm.s32 @!p2 $0x2800;
	[sflag:s17] =	ssyncadd.s32 $0xFFFFC000  }
0x61: {  	[tilespmem:s29], [sflag:$0x1] =	stream.indirect.gather @!p2 [hbm4b:s1+s28], $0x80, s26, s28, $0xb8;
	[tilespmem:$0x1E080] =	vst v63  }
0x62: {  	_ =	swait.ge [sflag:s21], $0x4000  }
0x63: {  	[sflag:s21] =	ssyncset.done $0x0  }
.Ltmp5:
0x64: {  	s31 =	sadd.s32 $0xFFFFFF80, s26;
	[sflag:s21] =	ssyncadd.s32 $0xFFFFC000;
	(pc) =	sbr.rel @p0 .LBB2_9-.Ltmp5, $4  }
0x65: {  	[spmem:s3] =	stream.indirect.scatter.add.f32 [tilespmem:s19], [sflag:$0x3], $0x80, s31, s13, $0xb8;
	[tilespmem:$0x1E080] =	vst v63  }
0x66: {  	_ =	swait.ge [sflag:s17], $0x4000  }
0x67: {  	[sflag:s17] =	ssyncset.done $0x0  }
0x68: {  	[sflag:s17] =	ssyncadd.s32 $0xFFFFC000  }
0x69: {  	[tilespmem:s4], [sflag:$0x3] =	stream.linear.gather [hbm4b:s9+s4], $0x2800, $0x38;
	[tilespmem:$0x1E080] =	vst v63  }
0x6a: {  	_ =	swait.ge [sflag:s17], $0x2800  }
0x6b: {  	[sflag:s17] =	ssyncset.done $0x0  }
0x6c: {  	[sflag:s17] =	ssyncadd.s32 $0xFFFFD800  }
0x6d: {  	[tilespmem:s14], [sflag:$0x1] =	stream.indirect.gather [hbm4b:s1+s13], $0x80, s4, s13, $0xb8;
	[tilespmem:$0x1E080] =	vst v63  }
0x6e: {  	s26 =	simm.s32 $0x100  }
0x6f: {  	[tilespmem:s19], [sflag:$0x2] =	stream.indirect.gather [hbm4b:s1+s13], $0x80, s26, s13, $0xb8;
	[tilespmem:$0x1E080] =	vst v63  }
0x70: {  	_ =	swait.ge [sflag:s20], $0x4000  }
0x71: {  	[sflag:s20] =	ssyncset.done $0x0  }
0x72: {  	s29 =	simm.s32 $0x80;
	[sflag:s20] =	ssyncadd.s32 $0xFFFFC000  }
0x73: {  	[spmem:s3] =	stream.indirect.scatter.add.f32 [tilespmem:s14], [sflag:$0x3], $0x80, s29, s13, $0xb8;
	[tilespmem:$0x1E080] =	vst v63  }
0x74: {  	_ =	swait.ge [sflag:s17], $0x4000  }
0x75: {  	[sflag:s17] =	ssyncset.done $0x0  }
0x76: {  	s30 =	simm.s32 $0x200;
	[sflag:s17] =	ssyncadd.s32 $0xFFFFC000  }
0x77: {  	[tilespmem:s14], [sflag:$0x1] =	stream.indirect.gather [hbm4b:s1+s13], $0x80, s30, s13, $0xb8;
	[tilespmem:$0x1E080] =	vst v63  }
0x78: {  	_ =	swait.ge [sflag:s21], $0x4000  }
0x79: {  	[sflag:s21] =	ssyncset.done $0x0  }
0x7a: {  	s31 =	simm.s32 $0x180;
	[sflag:s21] =	ssyncadd.s32 $0xFFFFC000  }
0x7b: {  	[spmem:s3] =	stream.indirect.scatter.add.f32 [tilespmem:s19], [sflag:$0x3], $0x80, s31, s13, $0xb8;
	[tilespmem:$0x1E080] =	vst v63  }
0x7c: {  	_ =	swait.ge [sflag:s17], $0x4000  }
0x7d: {  	s28 =	simm.s32 $0xFFFF7800;
	s26 =	simm.s32 $0xFFFFDC00;
	[sflag:s17] =	ssyncset.done $0x0  }
.LBB2_7:
0x7e: {  	s29 =	sadd.s32 $0x2700, s26  }
0x7f: {  	[sflag:s17] =	ssyncadd.s32 $0xFFFFC000;
	s30 =	smov.u32 s28;
	s31 =	sadd.s32 $0x800, s28  }
0x80: {  	[tilespmem:s19], [sflag:$0x2] =	stream.indirect.gather [hbm4b:s1+s13], $0x80, s29, s13, $0xb8;
	[tilespmem:$0x1E080] =	vst v63  }
0x81: {  	p2 =	sne.s32 s28, $0xFFFFF800;
	_ =	swait.ge [sflag:s20], $0x4000  }
0x82: {  	[sflag:s20] =	ssyncset.done $0x0  }
0x83: {  	s28 =	sadd.s32 $0x2680, s26;
	[sflag:s20] =	ssyncadd.s32 $0xFFFFC000  }
0x84: {  	[spmem:s3] =	stream.indirect.scatter.add.f32 [tilespmem:s14], [sflag:$0x3], $0x80, s28, s13, $0xb8;
	[tilespmem:$0x1E080] =	vst v63  }
0x85: {  	_ =	swait.ge [sflag:s17], $0x4000  }
0x86: {  	[sflag:s17] =	ssyncset.done $0x0  }
0x87: {  	s28 =	sadd.s32 $0x2800, s26;
	[sflag:s17] =	ssyncadd.s32 $0xFFFFC000  }
0x88: {  	[tilespmem:s14], [sflag:$0x1] =	stream.indirect.gather [hbm4b:s1+s13], $0x80, s28, s13, $0xb8;
	[tilespmem:$0x1E080] =	vst v63  }
0x89: {  	_ =	swait.ge [sflag:s21], $0x4000  }
.Ltmp6:
0x8a: {  	[sflag:s21] =	ssyncset.done $0x0;
	(pc) =	sbr.rel @p2 .LBB2_7-.Ltmp6, $4  }
0x8b: {  	s26 =	sadd.s32 $0x2780, s26;
	[sflag:s21] =	ssyncadd.s32 $0xFFFFC000  }
0x8c: {  	[spmem:s3] =	stream.indirect.scatter.add.f32 [tilespmem:s19], [sflag:$0x3], $0x80, s26, s13, $0xb8;
	[tilespmem:$0x1E080] =	vst v63  }
0x8d: {  	_ =	swait.ge [sflag:s17], $0x4000  }
0x8e: {  	s28 =	smov.u32 s31;
	s26 =	sshra.s32 s30, $0x2;
	[sflag:s17] =	ssyncset.done $0x0  }
0x8f: {  	s28 =	sadd.s32 $0x2700, s26;
	[sflag:s17] =	ssyncadd.s32 $0xFFFFC000  }
0x90: {  	[tilespmem:s19], [sflag:$0x2] =	stream.indirect.gather [hbm4b:s1+s13], $0x80, s28, s13, $0xb8;
	[tilespmem:$0x1E080] =	vst v63  }
0x91: {  	_ =	swait.ge [sflag:s20], $0x4000  }
0x92: {  	[sflag:s20] =	ssyncset.done $0x0  }
0x93: {  	s29 =	sadd.s32 $0x2680, s26;
	[sflag:s20] =	ssyncadd.s32 $0xFFFFC000  }
0x94: {  	[spmem:s3] =	stream.indirect.scatter.add.f32 [tilespmem:s14], [sflag:$0x3], $0x80, s29, s13, $0xb8;
	[tilespmem:$0x1E080] =	vst v63  }
0x95: {  	_ =	swait.ge [sflag:s17], $0x4000  }
0x96: {  	[sflag:s17] =	ssyncset.done $0x0  }
0x97: {  	s30 =	sadd.s32 $0x2800, s26;
	[sflag:s17] =	ssyncadd.s32 $0xFFFFC000  }
0x98: {  	[tilespmem:s14], [sflag:$0x1] =	stream.indirect.gather [hbm4b:s1+s13], $0x80, s30, s13, $0xb8;
	[tilespmem:$0x1E080] =	vst v63  }
0x99: {  	_ =	swait.ge [sflag:s21], $0x4000  }
0x9a: {  	[sflag:s21] =	ssyncset.done $0x0  }
0x9b: {  	s31 =	sadd.s32 $0x2780, s26;
	[sflag:s21] =	ssyncadd.s32 $0xFFFFC000  }
0x9c: {  	[spmem:s3] =	stream.indirect.scatter.add.f32 [tilespmem:s19], [sflag:$0x3], $0x80, s31, s13, $0xb8;
	[tilespmem:$0x1E080] =	vst v63  }
0x9d: {  	_ =	swait.ge [sflag:s17], $0x4000  }
0x9e: {  	[sflag:s17] =	ssyncset.done $0x0  }
0x9f: {  	[sflag:s17] =	ssyncadd.s32 $0xFFFFC000  }
0xa0: {  	[tilespmem:s19], [sflag:$0x2] =	stream.indirect.gather [hbm4b:s1+s13], $0x80, s22, s13, $0xb8;
	[tilespmem:$0x1E080] =	vst v63  }
0xa1: {  	_ =	swait.ge [sflag:s20], $0x4000  }
0xa2: {  	[sflag:s20] =	ssyncset.done $0x0  }
0xa3: {  	[sflag:s20] =	ssyncadd.s32 $0xFFFFC000  }
0xa4: {  	[spmem:s3] =	stream.indirect.scatter.add.f32 [tilespmem:s14], [sflag:$0x3], $0x80, s23, s13, $0xb8;
	[tilespmem:$0x1E080] =	vst v63  }
0xa5: {  	_ =	swait.ge [sflag:s17], $0x4000  }
0xa6: {  	[sflag:s17] =	ssyncset.done $0x0  }
0xa7: {  	[sflag:s17] =	ssyncadd.s32 $0xFFFFC000  }
0xa8: {  	_ =	swait.ge [sflag:s21], $0x4000  }
0xa9: {  	[sflag:s21] =	ssyncset.done $0x0  }
.Ltmp7:
0xaa: {  	[sflag:s21] =	ssyncadd.s32 $0xFFFFC000;
	(pc) =	sbr.rel .LBB2_9-.Ltmp7, $4  }
0xab: {  	[spmem:s3] =	stream.indirect.scatter.add.f32 [tilespmem:s19], [sflag:$0x3], $0x80, s24, s13, $0xb8;
	[tilespmem:$0x1E080] =	vst v63  }
0xac: {  	_ =	swait.ge [sflag:s17], $0x4000  }
0xad: {  	[sflag:s17] =	ssyncset.done $0x0  }
0xae: {  	[sflag:s17] =	ssyncadd.s32 $0xFFFFC000  }
.LBB2_2:
.Ltmp8:
0xaf: {  	(pc) =	sbr.rel .LBB2_5-.Ltmp8, $2  }
0xb0: {  	_ =	sdelay $0x2  }
0xb1: {  	s28 =	simm.s32 $0x0  }
.LBB2_10:
0xb2: {  	_ =	sfence.sel $0x180000  }
0xb3: {  	[bflag:$0x0] =	sbarrier.arrive $0xFFFF  }
0xb4: {  	_ =	strace $0x90000047  }
0xb5: {  	s0 =	sadd.s32 @!p1 $0x100000, s0;
	[bflag:$0x2] =	sbarrier.arrive $0xFFFF  }
0xb6: {  	[sflag:s0] =	ssyncadd.tile.s32 @!p1 $0x1;
	_ =	shalt  }
.Lfunc_end2:
_tile_overlayer_lowered:
.L_overlay_start_2:
0xb7: {  	(tag) =	ssettag $0x2  }
0xb8: {  	s0 =	rddreg [dreg:$0x0];
	s2 =	stileid.u32  }
0xb9: {  	s1 =	rddreg [dreg:$0x1];
	p0 =	sne.s32 s2, $0x0  }
0xba: {  	s3 =	rddreg [dreg:$0x2];
	[bflag:$0x3] =	sbarrier.arrive $0xFFFF;
	s2 =	simm.s32 @!p0 $0x1C03  }
0xbb: {  	[timem:s3], [sflag:s2] =	dma.local @!p0 [hbm:s0], s1  }
0xbc: {  	s0 =	simm.s32 @!p0 $0x3  }
0xbd: {  	_ =	swait.ge @!p0 [sflag:s0], s1  }
0xbe: {  	s1 =	ssub.s32 @!p0 $0x0, s1;
	[sflag:s0] =	ssyncset.done @!p0 $0x0  }
0xbf: {  	[sflag:s0] =	ssyncadd.s32 @!p0 s1  }
0xc0: {  	[bflag:$0x3] =	sbarrier.arrive $0xFFFF  }
0xc1: {  	_ =	shalt  }

</sc_bundles>
